<compile_context>
chip_gen: v7x
topology: tpu7x:2x2x1
jax: 0.10.2.dev20260603
libtpu: 0.0.44.dev20260713+nightly
codegen_flags: <defaults>
</compile_context>

<pallas_src>
import functools
import math

import jax
import jax.numpy as jnp
from jax import lax
from jax.experimental import pallas as pl
from jax.experimental.pallas import tpu as pltpu
from jax.experimental.pallas import tpu_sc as plsc

N = 10000
E = 320000
D = 128
LAMDA = 0.5
ALPHA = 0.1
TH1 = math.log(LAMDA / 1.0 + 1.0)
TH2 = math.log(LAMDA / 2.0 + 1.0)

NC = 2
NS = 16
NCH = 80
C = 125
HB = 40
NP = 10240
RP = NP // NS

_sc_mesh = plsc.VectorSubcoreMesh(
    core_axis_name="c", subcore_axis_name="s", num_cores=NC, num_subcores=NS
)


NCH2, C2 = 125, 80


@functools.partial(
    pl.kernel,
    out_type=jax.ShapeDtypeStruct((NC, NS, RP), jnp.float32),
    mesh=_sc_mesh,
    scratch_types=[
        pltpu.VMEM((NCH2, C2), jnp.int32),
        pltpu.VMEM((C2,), jnp.float32),
        pltpu.VMEM_SHARED((NP,), jnp.float32),
        pltpu.SemaphoreType.DMA,
    ],
)
def _deg_kernel(dst_hbm, zerosf_hbm, out_hbm, dstv, onesv, accd, sem):
    c = lax.axis_index("c")
    s = lax.axis_index("s")
    pltpu.sync_copy(dst_hbm.at[c, s], dstv)
    ones16 = jnp.ones((16,), jnp.float32)
    for i in range(C2 // 16):
        onesv[pl.ds(16 * i, 16)] = ones16
    pltpu.sync_copy(zerosf_hbm.at[pl.ds(s * RP, RP)], accd.at[pl.ds(s * RP, RP)])
    plsc.subcore_barrier()

    def body(g, carry):
        pltpu.async_copy(onesv, accd.at[dstv.at[g]], sem, add=True)
        return carry

    lax.fori_loop(0, NCH2, body, 0)

    def drain(g, carry):
        pltpu.make_async_copy(onesv, accd.at[dstv.at[0]], sem).wait()
        return carry

    lax.fori_loop(0, NCH2, drain, 0)
    plsc.subcore_barrier()
    pltpu.sync_copy(accd.at[pl.ds(s * RP, RP)], out_hbm.at[c, s])


@functools.partial(
    pl.kernel,
    out_type=jax.ShapeDtypeStruct((NC, NP, D), jnp.float32),
    mesh=_sc_mesh,
    scratch_types=[
        pltpu.VMEM((HB, C), jnp.int32),
        pltpu.VMEM((HB, C), jnp.int32),
        pltpu.VMEM((C, D), jnp.float32),
        pltpu.VMEM((C, D), jnp.float32),
        pltpu.VMEM_SHARED((NP, D), jnp.float32),
        pltpu.SemaphoreType.DMA,
        pltpu.SemaphoreType.DMA,
        pltpu.SemaphoreType.DMA,
        pltpu.SemaphoreType.DMA,
    ],
)
def _spmm_kernel(hs_hbm, src_hbm, dst_hbm, zeros_hbm, out_hbm, srcv, dstv,
                 rows0, rows1, acc, semg0, semg1, sems0, sems1):
    c = lax.axis_index("c")
    s = lax.axis_index("s")
    dz = pltpu.async_copy(zeros_hbm.at[pl.ds(s * RP, RP)], acc.at[pl.ds(s * RP, RP)], sems0)

    for h in range(NCH // HB):
        pltpu.sync_copy(src_hbm.at[c, s, h], srcv)
        pltpu.sync_copy(dst_hbm.at[c, s, h], dstv)

        pltpu.async_copy(hs_hbm.at[srcv.at[0]], rows0, semg0)
        if h == 0:
            dz.wait()
            plsc.subcore_barrier()

        def body(t, carry):
            g0 = 2 * t
            pltpu.async_copy(hs_hbm.at[srcv.at[g0 + 1]], rows1, semg1)
            pltpu.make_async_copy(hs_hbm.at[srcv.at[g0]], rows0, semg0).wait()
            pltpu.async_copy(rows0, acc.at[dstv.at[g0]], sems0, add=True).wait()

            @pl.when(g0 + 2 < HB)
            def _():
                pltpu.async_copy(hs_hbm.at[srcv.at[g0 + 2]], rows0, semg0)

            pltpu.make_async_copy(hs_hbm.at[srcv.at[g0 + 1]], rows1, semg1).wait()
            pltpu.async_copy(rows1, acc.at[dstv.at[g0 + 1]], sems1, add=True).wait()
            return carry

        lax.fori_loop(0, HB // 2, body, 0)
    plsc.subcore_barrier()
    pltpu.sync_copy(acc.at[pl.ds(s * RP, RP)], out_hbm.at[c, pl.ds(s * RP, RP)])


_BLK = 1280
_GRID = (N + _BLK - 1) // _BLK


def _dinv_from(degp_ref):
    i = pl.program_id(0)
    deg = 1.0 + degp_ref[0, pl.ds(i * _BLK, _BLK)] + degp_ref[1, pl.ds(i * _BLK, _BLK)]
    return lax.rsqrt(deg)


def _stage_a_body(x_ref, wf_ref, bf_ref, degp_ref, h0_ref, h0s_ref):
    h0 = jnp.dot(x_ref[...], wf_ref[...], preferred_element_type=jnp.float32)
    h0 = h0 + bf_ref[...]
    dinv = _dinv_from(degp_ref)
    h0_ref[...] = h0
    h0s_ref[...] = h0 * dinv[:, None]


def _stage_b_body(p_ref, h0_ref, h0s_ref, degp_ref, w_ref, h1_ref, h1s_ref):
    dinv = _dinv_from(degp_ref)
    hi = (p_ref[0] + p_ref[1] + h0s_ref[...]) * dinv[:, None]
    sup = (1.0 - ALPHA) * hi + ALPHA * h0_ref[...]
    h1 = TH1 * jnp.dot(sup, w_ref[...], preferred_element_type=jnp.float32)
    h1 = jnp.maximum(h1 + (1.0 - TH1) * sup, 0.0)
    h1_ref[...] = h1
    h1s_ref[...] = h1 * dinv[:, None]


def _stage_c_body(p_ref, h0_ref, h1s_ref, degp_ref, w_ref, out_ref):
    dinv = _dinv_from(degp_ref)
    hi = (p_ref[0] + p_ref[1] + h1s_ref[...]) * dinv[:, None]
    sup = (1.0 - ALPHA) * hi + ALPHA * h0_ref[...]
    out = TH2 * jnp.dot(sup, w_ref[...], preferred_element_type=jnp.float32)
    out_ref[...] = out + (1.0 - TH2) * sup


_row_spec = pl.BlockSpec((_BLK, D), lambda i: (i, 0))
_p_spec = pl.BlockSpec((NC, _BLK, D), lambda i: (0, i, 0))
_degp_spec = pl.BlockSpec((NC, NP), lambda i: (0, 0))
_w_spec = pl.BlockSpec((D, D), lambda i: (0, 0))
_b_spec = pl.BlockSpec((1, D), lambda i: (0, 0))
_nd_shape = jax.ShapeDtypeStruct((N, D), jnp.float32)

_stage_a = pl.pallas_call(
    _stage_a_body,
    grid=(_GRID,),
    in_specs=[_row_spec, _w_spec, _b_spec, _degp_spec],
    out_specs=[_row_spec, _row_spec],
    out_shape=[_nd_shape, _nd_shape],
)

_stage_b = pl.pallas_call(
    _stage_b_body,
    grid=(_GRID,),
    in_specs=[_p_spec, _row_spec, _row_spec, _degp_spec, _w_spec],
    out_specs=[_row_spec, _row_spec],
    out_shape=[_nd_shape, _nd_shape],
)

_stage_c = pl.pallas_call(
    _stage_c_body,
    grid=(_GRID,),
    in_specs=[_p_spec, _row_spec, _row_spec, _degp_spec, _w_spec],
    out_specs=_row_spec,
    out_shape=_nd_shape,
)


def kernel(x, edge_index, W_fc, b_fc, W1, W2):
    src = edge_index[0].astype(jnp.int32).reshape(NC, NS, NCH // HB, HB, C)
    dst = edge_index[1].astype(jnp.int32).reshape(NC, NS, NCH // HB, HB, C)
    dst_deg = edge_index[1].astype(jnp.int32).reshape(NC, NS, NCH2, C2)
    zeros = jnp.zeros((NP, D), jnp.float32)
    zerosf = jnp.zeros((NP,), jnp.float32)
    b2 = b_fc.reshape(1, D).astype(jnp.float32)

    degp = _deg_kernel(dst_deg, zerosf).reshape(NC, NP)
    h0, h0s = _stage_a(x, W_fc, b2, degp)
    p1 = _spmm_kernel(h0s, src, dst, zeros)
    h1, h1s = _stage_b(p1, h0, h0s, degp, W1)
    p2 = _spmm_kernel(h1s, src, dst, zeros)
    return _stage_c(p2, h0, h1s, degp, W2)

# --- scband reference (transcript-rebuilt; emitter-appended) ---
"""Pipeline reference for scband-gcnii-64665027609334 (READ-ONLY COPY).

The authoritative reference and input builder live on the scoring server;
editing this copy changes nothing except your own understanding.
"""

import jax, jax.numpy as jnp
import numpy as np
import math

N = 10000
E = 320000
D = 128
LAMDA = 0.5
ALPHA = 0.1


def setup_inputs(seed: int = 0) -> dict:
    key = jax.random.key(seed)
    ks = jax.random.split(key, 8)
    x = jax.random.normal(ks[0], (N, D), dtype=jnp.float32)
    edge_index = jax.random.randint(ks[1], (2, E), 0, N)
    # fc_in: Linear(in_features=128 -> hidden_dims[0]=128)
    lim = 1.0 / math.sqrt(D)
    W_fc = jax.random.uniform(ks[2], (D, D), dtype=jnp.float32, minval=-lim, maxval=lim)
    b_fc = jax.random.uniform(ks[3], (D,), dtype=jnp.float32, minval=-lim, maxval=lim)
    # two GCNConvII layers (hidden_dims=[128,128,128] -> 2 layers), variant=False so in=out=128
    stdv = 1.0 / math.sqrt(D)
    W1 = jax.random.uniform(ks[4], (D, D), dtype=jnp.float32, minval=-stdv, maxval=stdv)
    W2 = jax.random.uniform(ks[5], (D, D), dtype=jnp.float32, minval=-stdv, maxval=stdv)
    return {"x": x, "edge_index": edge_index, "W_fc": W_fc, "b_fc": b_fc, "W1": W1, "W2": W2}


def _norm_adj(edge_index, n):
    # add self loops, then symmetric normalization D^{-1/2} (A + I) D^{-1/2}
    loop = jnp.arange(n, dtype=edge_index.dtype)
    src = jnp.concatenate([edge_index[0], loop])
    dst = jnp.concatenate([edge_index[1], loop])
    deg = jnp.zeros((n,), jnp.float32).at[dst].add(1.0)
    dinv = jnp.where(deg > 0, jax.lax.rsqrt(jnp.maximum(deg, 1e-12)), 0.0)
    w = dinv[dst] * dinv[src]
    return src, dst, w


def _spmm(src, dst, w, h):
    # y = A_hat @ h  via gather + scatter-add
    msgs = h[src] * w[:, None]
    return jnp.zeros_like(h).at[dst].add(msgs)


def _gcn2_layer(h, src, dst, w, h0, W, l):
    theta = math.log(LAMDA / l + 1.0)
    hi = _spmm(src, dst, w, h)
    support = (1.0 - ALPHA) * hi + ALPHA * h0  # variant=False
    r = support
    return theta * (support @ W) + (1.0 - theta) * r  # residual=False


def reference(x, edge_index, W_fc, b_fc, W1, W2):
    src, dst, w = _norm_adj(edge_index, x.shape[0])
    h0 = x @ W_fc + b_fc
    h = h0
    # layer 1 (l=1) with relu; dropout omitted (eval / p handled as identity)
    h = jax.nn.relu(_gcn2_layer(h, src, dst, w, h0, W1, 1))
    # final layer (l=2), no relu
    logits = _gcn2_layer(h, src, dst, w, h0, W2, 2)
    return logits

if __name__ == "__main__":
    import jax
    _d = setup_inputs()
    print(jax.jit(kernel)(*tuple(_d.values())))

</pallas_src>

<mosaic_0001>
#map = affine_map<(d0, d1) -> (0, 0, 0, 0)>
#map1 = affine_map<(d0, d1) -> (0)>
#map2 = affine_map<(d0, d1) -> (0, 0, 0)>
module attributes {stable_mosaic.version = 14 : i64} {
  func.func @_deg_kernel(%arg0: i32, %arg1: i32, %arg2: memref<2x16x125x80xi32, #tpu.memory_space<hbm>>, %arg3: memref<10240xf32, #tpu.memory_space<hbm>>, %arg4: memref<2x16x640xf32, #tpu.memory_space<hbm>>, %arg5: memref<125x80xi32, #tpu.memory_space<vmem>>, %arg6: memref<80xf32, #tpu.memory_space<vmem>>, %arg7: memref<10240xf32, #tpu.memory_space<vmem_shared>>, %arg8: memref<!tpu.dma_semaphore, #tpu.memory_space<semaphore_mem>>) attributes {dimension_semantics = [#tpu.dimension_semantics<core_parallel>, #tpu.dimension_semantics<subcore_parallel>], iteration_bounds = array<i64: 2, 16>, scalar_prefetch = 0 : i64, scratch_operands = 4 : i64, tpu.core_type = #tpu.core_type<sc_vector_subcore>, window_params = [{transform_indices = #map}, {transform_indices = #map1}, {transform_indices = #map2}]} {
    "tpu.region"() ({
      %run_scoped3A = tpu.sem_alloc : memref<!tpu.dma_semaphore, #tpu.memory_space<semaphore_mem>>
      %dma_start3A = arith.constant 0 : i32
      %dma_start3A_37 = arith.constant 0 : i32
      %dma_start3A_38 = tpu.memref_slice %arg2[%arg0, %arg1, %dma_start3A, %dma_start3A_37] : memref<2x16x125x80xi32, #tpu.memory_space<hbm>> -> memref<1x1x125x80xi32, #tpu.memory_space<hbm>>
      %dma_start3A_39 = tpu.memref_squeeze %dma_start3A_38 : memref<1x1x125x80xi32, #tpu.memory_space<hbm>> -> memref<125x80xi32, #tpu.memory_space<hbm>>
      %dma_start3A_40 = arith.constant 0 : i32
      %dma_start3A_41 = arith.constant 0 : i32
      %dma_start3A_42 = tpu.memref_slice %arg2[%arg0, %arg1, %dma_start3A_40, %dma_start3A_41] : memref<2x16x125x80xi32, #tpu.memory_space<hbm>> -> memref<1x1x125x80xi32, #tpu.memory_space<hbm>>
      %dma_start3A_43 = tpu.memref_squeeze %dma_start3A_42 : memref<1x1x125x80xi32, #tpu.memory_space<hbm>> -> memref<125x80xi32, #tpu.memory_space<hbm>>
      tpu.enqueue_dma source(%dma_start3A_43 : memref<125x80xi32, #tpu.memory_space<hbm>>) target(%arg5 : memref<125x80xi32, #tpu.memory_space<vmem>>) target_semaphore(%run_scoped3A : memref<!tpu.dma_semaphore, #tpu.memory_space<semaphore_mem>>)
      %dma_wait3A = arith.constant 0 : i32
      %dma_wait3A_44 = arith.constant 0 : i32
      %dma_wait3A_45 = tpu.memref_slice %arg2[%arg0, %arg1, %dma_wait3A, %dma_wait3A_44] : memref<2x16x125x80xi32, #tpu.memory_space<hbm>> -> memref<1x1x125x80xi32, #tpu.memory_space<hbm>>
      %dma_wait3A_46 = tpu.memref_squeeze %dma_wait3A_45 : memref<1x1x125x80xi32, #tpu.memory_space<hbm>> -> memref<125x80xi32, #tpu.memory_space<hbm>>
      %dma_wait3A_47 = arith.constant 0 : i32
      %dma_wait3A_48 = arith.constant 0 : i32
      %dma_wait3A_49 = tpu.memref_slice %arg2[%arg0, %arg1, %dma_wait3A_47, %dma_wait3A_48] : memref<2x16x125x80xi32, #tpu.memory_space<hbm>> -> memref<1x1x125x80xi32, #tpu.memory_space<hbm>>
      %dma_wait3A_50 = tpu.memref_squeeze %dma_wait3A_49 : memref<1x1x125x80xi32, #tpu.memory_space<hbm>> -> memref<125x80xi32, #tpu.memory_space<hbm>>
      tpu.wait_dma2 semaphore(%run_scoped3A : memref<!tpu.dma_semaphore, #tpu.memory_space<semaphore_mem>>) src(%dma_wait3A_50 : memref<125x80xi32, #tpu.memory_space<hbm>>) dst(%arg5 : memref<125x80xi32, #tpu.memory_space<vmem>>)
      tpu.yield
    }) : () -> ()
    %broadcast_in_dim3A = arith.constant 1.000000e+00 : f32
    %broadcast_in_dim3A_0 = vector.broadcast %broadcast_in_dim3A : f32 to vector<16xf32>
    %swap3A = arith.constant 0 : index
    %swap3A_1 = tpu.vector_load %arg6[%swap3A] {strides = array<i32>} : memref<80xf32, #tpu.memory_space<vmem>>, vector<16xf32>,
    %swap3A_2 = vector.shape_cast %swap3A_1 : vector<16xf32> to vector<16xf32>
    %swap3A_3 = vector.shape_cast %broadcast_in_dim3A_0 : vector<16xf32> to vector<16xf32>
    tpu.vector_store %arg6[%swap3A], %swap3A_3 {strides = array<i32>} : memref<80xf32, #tpu.memory_space<vmem>>, vector<16xf32>,
    %swap3A_4 = arith.constant 16 : index
    %swap3A_5 = tpu.vector_load %arg6[%swap3A_4] {strides = array<i32>} : memref<80xf32, #tpu.memory_space<vmem>>, vector<16xf32>,
    %swap3A_6 = vector.shape_cast %swap3A_5 : vector<16xf32> to vector<16xf32>
    %swap3A_7 = vector.shape_cast %broadcast_in_dim3A_0 : vector<16xf32> to vector<16xf32>
    tpu.vector_store %arg6[%swap3A_4], %swap3A_7 {strides = array<i32>} : memref<80xf32, #tpu.memory_space<vmem>>, vector<16xf32>,
    %swap3A_8 = arith.constant 32 : index
    %swap3A_9 = tpu.vector_load %arg6[%swap3A_8] {strides = array<i32>} : memref<80xf32, #tpu.memory_space<vmem>>, vector<16xf32>,
    %swap3A_10 = vector.shape_cast %swap3A_9 : vector<16xf32> to vector<16xf32>
    %swap3A_11 = vector.shape_cast %broadcast_in_dim3A_0 : vector<16xf32> to vector<16xf32>
    tpu.vector_store %arg6[%swap3A_8], %swap3A_11 {strides = array<i32>} : memref<80xf32, #tpu.memory_space<vmem>>, vector<16xf32>,
    %swap3A_12 = arith.constant 48 : index
    %swap3A_13 = tpu.vector_load %arg6[%swap3A_12] {strides = array<i32>} : memref<80xf32, #tpu.memory_space<vmem>>, vector<16xf32>,
    %swap3A_14 = vector.shape_cast %swap3A_13 : vector<16xf32> to vector<16xf32>
    %swap3A_15 = vector.shape_cast %broadcast_in_dim3A_0 : vector<16xf32> to vector<16xf32>
    tpu.vector_store %arg6[%swap3A_12], %swap3A_15 {strides = array<i32>} : memref<80xf32, #tpu.memory_space<vmem>>, vector<16xf32>,
    %swap3A_16 = arith.constant 64 : index
    %swap3A_17 = tpu.vector_load %arg6[%swap3A_16] {strides = array<i32>} : memref<80xf32, #tpu.memory_space<vmem>>, vector<16xf32>,
    %swap3A_18 = vector.shape_cast %swap3A_17 : vector<16xf32> to vector<16xf32>
    %swap3A_19 = vector.shape_cast %broadcast_in_dim3A_0 : vector<16xf32> to vector<16xf32>
    tpu.vector_store %arg6[%swap3A_16], %swap3A_19 {strides = array<i32>} : memref<80xf32, #tpu.memory_space<vmem>>, vector<16xf32>,
    %mul3A = arith.constant 640 : i32
    %mul3A_20 = arith.muli %arg1, %mul3A : i32
    %mul3A_21 = arith.constant 640 : i32
    %mul3A_22 = arith.muli %arg1, %mul3A_21 : i32
    "tpu.region"() ({
      %run_scoped3A = tpu.sem_alloc : memref<!tpu.dma_semaphore, #tpu.memory_space<semaphore_mem>>
      %dma_start3A = tpu.memref_slice %arg7[%mul3A_22] : memref<10240xf32, #tpu.memory_space<vmem_shared>> -> memref<640xf32, #tpu.memory_space<vmem_shared>>
      %dma_start3A_37 = tpu.memref_slice %arg3[%mul3A_20] : memref<10240xf32, #tpu.memory_space<hbm>> -> memref<640xf32, #tpu.memory_space<hbm>>
      tpu.enqueue_dma source(%dma_start3A_37 : memref<640xf32, #tpu.memory_space<hbm>>) target(%dma_start3A : memref<640xf32, #tpu.memory_space<vmem_shared>>) target_semaphore(%run_scoped3A : memref<!tpu.dma_semaphore, #tpu.memory_space<semaphore_mem>>)
      %dma_wait3A = tpu.memref_slice %arg7[%mul3A_22] : memref<10240xf32, #tpu.memory_space<vmem_shared>> -> memref<640xf32, #tpu.memory_space<vmem_shared>>
      %dma_wait3A_38 = tpu.memref_slice %arg3[%mul3A_20] : memref<10240xf32, #tpu.memory_space<hbm>> -> memref<640xf32, #tpu.memory_space<hbm>>
      tpu.wait_dma2 semaphore(%run_scoped3A : memref<!tpu.dma_semaphore, #tpu.memory_space<semaphore_mem>>) src(%dma_wait3A_38 : memref<640xf32, #tpu.memory_space<hbm>>) dst(%dma_wait3A : memref<640xf32, #tpu.memory_space<vmem_shared>>)
      tpu.yield
    }) : () -> ()
    %barrier3A = arith.constant 0 : index
    tpu.barrier barrier_id(%barrier3A)
    %scan3A = arith.constant 0 : i32
    %scan3A_23 = arith.constant 0 : i32
    %scan3A_24 = arith.constant 125 : i32
    %scan3A_25 = arith.addi %scan3A_23, %scan3A_24 : i32
    %scan3A_26 = arith.constant 1 : i32
    scf.for %scan3A_37 = %scan3A_23 to %scan3A_25 step %scan3A_26  : i32 {
      %dma_start3A = arith.constant 0 : i32
      %dma_start3A_38 = tpu.memref_slice %arg5[%scan3A_37, %dma_start3A] : memref<125x80xi32, #tpu.memory_space<vmem>> -> memref<1x80xi32, #tpu.memory_space<vmem>>
      %dma_start3A_39 = tpu.memref_squeeze %dma_start3A_38 : memref<1x80xi32, #tpu.memory_space<vmem>> -> memref<80xi32, #tpu.memory_space<vmem>>
      %dma_start3A_40 = arith.constant 0 : i32
      %dma_start3A_41 = tpu.memref_slice %arg7[%dma_start3A_40] : memref<10240xf32, #tpu.memory_space<vmem_shared>> -> memref<10240xf32, #tpu.memory_space<vmem_shared>>
      tpu.enqueue_indirect_dma source(%arg6 : memref<80xf32, #tpu.memory_space<vmem>>) target(%dma_start3A_41 : memref<10240xf32, #tpu.memory_space<vmem_shared>>) offsets(%dma_start3A_39 : memref<80xi32, #tpu.memory_space<vmem>>) semaphore(%arg8 : memref<!tpu.dma_semaphore, #tpu.memory_space<semaphore_mem>>) {add = true}
    }
    %scan3A_27 = arith.constant 125 : i32
    %scan3A_28 = arith.constant 0 : i32
    %scan3A_29 = arith.constant 0 : i32
    %scan3A_30 = arith.constant 125 : i32
    %scan3A_31 = arith.addi %scan3A_29, %scan3A_30 : i32
    %scan3A_32 = arith.constant 1 : i32
    scf.for %scan3A_37 = %scan3A_29 to %scan3A_31 step %scan3A_32  : i32 {
      %dma_wait3A = arith.constant 0 : i32
      %dma_wait3A_38 = arith.constant 0 : i32
      %dma_wait3A_39 = tpu.memref_slice %arg5[%dma_wait3A, %dma_wait3A_38] : memref<125x80xi32, #tpu.memory_space<vmem>> -> memref<1x80xi32, #tpu.memory_space<vmem>>
      %dma_wait3A_40 = tpu.memref_squeeze %dma_wait3A_39 : memref<1x80xi32, #tpu.memory_space<vmem>> -> memref<80xi32, #tpu.memory_space<vmem>>
      %dma_wait3A_41 = arith.constant 0 : i32
      %dma_wait3A_42 = tpu.memref_slice %arg7[%dma_wait3A_41] : memref<10240xf32, #tpu.memory_space<vmem_shared>> -> memref<10240xf32, #tpu.memory_space<vmem_shared>>
      tpu.wait_indirect_dma semaphore(%arg8 : memref<!tpu.dma_semaphore, #tpu.memory_space<semaphore_mem>>) src(%arg6 : memref<80xf32, #tpu.memory_space<vmem>>) dst(%dma_wait3A_42 : memref<10240xf32, #tpu.memory_space<vmem_shared>>)
    }
    %scan3A_33 = arith.constant 125 : i32
    %barrier3A_34 = arith.constant 0 : index
    tpu.barrier barrier_id(%barrier3A_34)
    %mul3A_35 = arith.constant 640 : i32
    %mul3A_36 = arith.muli %arg1, %mul3A_35 : i32
    "tpu.region"() ({
      %run_scoped3A = tpu.sem_alloc : memref<!tpu.dma_semaphore, #tpu.memory_space<semaphore_mem>>
      %dma_start3A = arith.constant 0 : i32
      %dma_start3A_37 = tpu.memref_slice %arg4[%arg0, %arg1, %dma_start3A] : memref<2x16x640xf32, #tpu.memory_space<hbm>> -> memref<1x1x640xf32, #tpu.memory_space<hbm>>
      %dma_start3A_38 = tpu.memref_squeeze %dma_start3A_37 : memref<1x1x640xf32, #tpu.memory_space<hbm>> -> memref<640xf32, #tpu.memory_space<hbm>>
      %dma_start3A_39 = tpu.memref_slice %arg7[%mul3A_36] : memref<10240xf32, #tpu.memory_space<vmem_shared>> -> memref<640xf32, #tpu.memory_space<vmem_shared>>
      tpu.enqueue_dma source(%dma_start3A_39 : memref<640xf32, #tpu.memory_space<vmem_shared>>) target(%dma_start3A_38 : memref<640xf32, #tpu.memory_space<hbm>>) target_semaphore(%run_scoped3A : memref<!tpu.dma_semaphore, #tpu.memory_space<semaphore_mem>>)
      %dma_wait3A = arith.constant 0 : i32
      %dma_wait3A_40 = tpu.memref_slice %arg4[%arg0, %arg1, %dma_wait3A] : memref<2x16x640xf32, #tpu.memory_space<hbm>> -> memref<1x1x640xf32, #tpu.memory_space<hbm>>
      %dma_wait3A_41 = tpu.memref_squeeze %dma_wait3A_40 : memref<1x1x640xf32, #tpu.memory_space<hbm>> -> memref<640xf32, #tpu.memory_space<hbm>>
      %dma_wait3A_42 = tpu.memref_slice %arg7[%mul3A_36] : memref<10240xf32, #tpu.memory_space<vmem_shared>> -> memref<640xf32, #tpu.memory_space<vmem_shared>>
      tpu.wait_dma2 semaphore(%run_scoped3A : memref<!tpu.dma_semaphore, #tpu.memory_space<semaphore_mem>>) src(%dma_wait3A_42 : memref<640xf32, #tpu.memory_space<vmem_shared>>) dst(%dma_wait3A_41 : memref<640xf32, #tpu.memory_space<hbm>>)
      tpu.yield
    }) : () -> ()
    return
  }
}

#map = affine_map<(d0, d1) -> (0, 0)>
#map1 = affine_map<(d0, d1) -> (0, 0, 0, 0, 0)>
#map2 = affine_map<(d0, d1) -> (0, 0, 0)>
module attributes {stable_mosaic.version = 14 : i64} {
  func.func @_spmm_kernel(%arg0: i32, %arg1: i32, %arg2: memref<10000x128xf32, #tpu.memory_space<hbm>>, %arg3: memref<2x16x2x40x125xi32, #tpu.memory_space<hbm>>, %arg4: memref<2x16x2x40x125xi32, #tpu.memory_space<hbm>>, %arg5: memref<10240x128xf32, #tpu.memory_space<hbm>>, %arg6: memref<2x10240x128xf32, #tpu.memory_space<hbm>>, %arg7: memref<40x125xi32, #tpu.memory_space<vmem>>, %arg8: memref<40x125xi32, #tpu.memory_space<vmem>>, %arg9: memref<125x128xf32, #tpu.memory_space<vmem>>, %arg10: memref<125x128xf32, #tpu.memory_space<vmem>>, %arg11: memref<10240x128xf32, #tpu.memory_space<vmem_shared>>, %arg12: memref<!tpu.dma_semaphore, #tpu.memory_space<semaphore_mem>>, %arg13: memref<!tpu.dma_semaphore, #tpu.memory_space<semaphore_mem>>, %arg14: memref<!tpu.dma_semaphore, #tpu.memory_space<semaphore_mem>>, %arg15: memref<!tpu.dma_semaphore, #tpu.memory_space<semaphore_mem>>) attributes {dimension_semantics = [#tpu.dimension_semantics<core_parallel>, #tpu.dimension_semantics<subcore_parallel>], iteration_bounds = array<i64: 2, 16>, scalar_prefetch = 0 : i64, scratch_operands = 9 : i64, tpu.core_type = #tpu.core_type<sc_vector_subcore>, window_params = [{transform_indices = #map}, {transform_indices = #map1}, {transform_indices = #map1}, {transform_indices = #map}, {transform_indices = #map2}]} {
    %mul3A = arith.constant 640 : i32
    %mul3A_0 = arith.muli %arg1, %mul3A : i32
    %mul3A_1 = arith.constant 640 : i32
    %mul3A_2 = arith.muli %arg1, %mul3A_1 : i32
    %dma_start3A = arith.constant 0 : i32
    %dma_start3A_3 = tpu.memref_slice %arg11[%mul3A_2, %dma_start3A] : memref<10240x128xf32, #tpu.memory_space<vmem_shared>> -> memref<640x128xf32, #tpu.memory_space<vmem_shared>>
    %dma_start3A_4 = arith.constant 0 : i32
    %dma_start3A_5 = tpu.memref_slice %arg5[%mul3A_0, %dma_start3A_4] : memref<10240x128xf32, #tpu.memory_space<hbm>> -> memref<640x128xf32, #tpu.memory_space<hbm>>
    tpu.enqueue_dma source(%dma_start3A_5 : memref<640x128xf32, #tpu.memory_space<hbm>>) target(%dma_start3A_3 : memref<640x128xf32, #tpu.memory_space<vmem_shared>>) target_semaphore(%arg14 : memref<!tpu.dma_semaphore, #tpu.memory_space<semaphore_mem>>)
    %run_scoped3A = arith.constant 0 : i32
    "tpu.region"() ({
      %run_scoped3A_42 = tpu.sem_alloc : memref<!tpu.dma_semaphore, #tpu.memory_space<semaphore_mem>>
      %dma_start3A_43 = arith.constant 0 : i32
      %dma_start3A_44 = arith.constant 0 : i32
      %dma_start3A_45 = tpu.memref_slice %arg3[%arg0, %arg1, %run_scoped3A, %dma_start3A_43, %dma_start3A_44] : memref<2x16x2x40x125xi32, #tpu.memory_space<hbm>> -> memref<1x1x1x40x125xi32, #tpu.memory_space<hbm>>
      %dma_start3A_46 = tpu.memref_squeeze %dma_start3A_45 : memref<1x1x1x40x125xi32, #tpu.memory_space<hbm>> -> memref<40x125xi32, #tpu.memory_space<hbm>>
      %dma_start3A_47 = arith.constant 0 : i32
      %dma_start3A_48 = arith.constant 0 : i32
      %dma_start3A_49 = tpu.memref_slice %arg3[%arg0, %arg1, %run_scoped3A, %dma_start3A_47, %dma_start3A_48] : memref<2x16x2x40x125xi32, #tpu.memory_space<hbm>> -> memref<1x1x1x40x125xi32, #tpu.memory_space<hbm>>
      %dma_start3A_50 = tpu.memref_squeeze %dma_start3A_49 : memref<1x1x1x40x125xi32, #tpu.memory_space<hbm>> -> memref<40x125xi32, #tpu.memory_space<hbm>>
      tpu.enqueue_dma source(%dma_start3A_50 : memref<40x125xi32, #tpu.memory_space<hbm>>) target(%arg7 : memref<40x125xi32, #tpu.memory_space<vmem>>) target_semaphore(%run_scoped3A_42 : memref<!tpu.dma_semaphore, #tpu.memory_space<semaphore_mem>>)
      %dma_wait3A_51 = arith.constant 0 : i32
      %dma_wait3A_52 = arith.constant 0 : i32
      %dma_wait3A_53 = tpu.memref_slice %arg3[%arg0, %arg1, %run_scoped3A, %dma_wait3A_51, %dma_wait3A_52] : memref<2x16x2x40x125xi32, #tpu.memory_space<hbm>> -> memref<1x1x1x40x125xi32, #tpu.memory_space<hbm>>
      %dma_wait3A_54 = tpu.memref_squeeze %dma_wait3A_53 : memref<1x1x1x40x125xi32, #tpu.memory_space<hbm>> -> memref<40x125xi32, #tpu.memory_space<hbm>>
      %dma_wait3A_55 = arith.constant 0 : i32
      %dma_wait3A_56 = arith.constant 0 : i32
      %dma_wait3A_57 = tpu.memref_slice %arg3[%arg0, %arg1, %run_scoped3A, %dma_wait3A_55, %dma_wait3A_56] : memref<2x16x2x40x125xi32, #tpu.memory_space<hbm>> -> memref<1x1x1x40x125xi32, #tpu.memory_space<hbm>>
      %dma_wait3A_58 = tpu.memref_squeeze %dma_wait3A_57 : memref<1x1x1x40x125xi32, #tpu.memory_space<hbm>> -> memref<40x125xi32, #tpu.memory_space<hbm>>
      tpu.wait_dma2 semaphore(%run_scoped3A_42 : memref<!tpu.dma_semaphore, #tpu.memory_space<semaphore_mem>>) src(%dma_wait3A_58 : memref<40x125xi32, #tpu.memory_space<hbm>>) dst(%arg7 : memref<40x125xi32, #tpu.memory_space<vmem>>)
      tpu.yield
    }) : () -> ()
    %run_scoped3A_6 = arith.constant 0 : i32
    "tpu.region"() ({
      %run_scoped3A_42 = tpu.sem_alloc : memref<!tpu.dma_semaphore, #tpu.memory_space<semaphore_mem>>
      %dma_start3A_43 = arith.constant 0 : i32
      %dma_start3A_44 = arith.constant 0 : i32
      %dma_start3A_45 = tpu.memref_slice %arg4[%arg0, %arg1, %run_scoped3A_6, %dma_start3A_43, %dma_start3A_44] : memref<2x16x2x40x125xi32, #tpu.memory_space<hbm>> -> memref<1x1x1x40x125xi32, #tpu.memory_space<hbm>>
      %dma_start3A_46 = tpu.memref_squeeze %dma_start3A_45 : memref<1x1x1x40x125xi32, #tpu.memory_space<hbm>> -> memref<40x125xi32, #tpu.memory_space<hbm>>
      %dma_start3A_47 = arith.constant 0 : i32
      %dma_start3A_48 = arith.constant 0 : i32
      %dma_start3A_49 = tpu.memref_slice %arg4[%arg0, %arg1, %run_scoped3A_6, %dma_start3A_47, %dma_start3A_48] : memref<2x16x2x40x125xi32, #tpu.memory_space<hbm>> -> memref<1x1x1x40x125xi32, #tpu.memory_space<hbm>>
      %dma_start3A_50 = tpu.memref_squeeze %dma_start3A_49 : memref<1x1x1x40x125xi32, #tpu.memory_space<hbm>> -> memref<40x125xi32, #tpu.memory_space<hbm>>
      tpu.enqueue_dma source(%dma_start3A_50 : memref<40x125xi32, #tpu.memory_space<hbm>>) target(%arg8 : memref<40x125xi32, #tpu.memory_space<vmem>>) target_semaphore(%run_scoped3A_42 : memref<!tpu.dma_semaphore, #tpu.memory_space<semaphore_mem>>)
      %dma_wait3A_51 = arith.constant 0 : i32
      %dma_wait3A_52 = arith.constant 0 : i32
      %dma_wait3A_53 = tpu.memref_slice %arg4[%arg0, %arg1, %run_scoped3A_6, %dma_wait3A_51, %dma_wait3A_52] : memref<2x16x2x40x125xi32, #tpu.memory_space<hbm>> -> memref<1x1x1x40x125xi32, #tpu.memory_space<hbm>>
      %dma_wait3A_54 = tpu.memref_squeeze %dma_wait3A_53 : memref<1x1x1x40x125xi32, #tpu.memory_space<hbm>> -> memref<40x125xi32, #tpu.memory_space<hbm>>
      %dma_wait3A_55 = arith.constant 0 : i32
      %dma_wait3A_56 = arith.constant 0 : i32
      %dma_wait3A_57 = tpu.memref_slice %arg4[%arg0, %arg1, %run_scoped3A_6, %dma_wait3A_55, %dma_wait3A_56] : memref<2x16x2x40x125xi32, #tpu.memory_space<hbm>> -> memref<1x1x1x40x125xi32, #tpu.memory_space<hbm>>
      %dma_wait3A_58 = tpu.memref_squeeze %dma_wait3A_57 : memref<1x1x1x40x125xi32, #tpu.memory_space<hbm>> -> memref<40x125xi32, #tpu.memory_space<hbm>>
      tpu.wait_dma2 semaphore(%run_scoped3A_42 : memref<!tpu.dma_semaphore, #tpu.memory_space<semaphore_mem>>) src(%dma_wait3A_58 : memref<40x125xi32, #tpu.memory_space<hbm>>) dst(%arg8 : memref<40x125xi32, #tpu.memory_space<vmem>>)
      tpu.yield
    }) : () -> ()
    %dma_start3A_7 = arith.constant 0 : i32
    %dma_start3A_8 = arith.constant 0 : i32
    %dma_start3A_9 = tpu.memref_slice %arg7[%dma_start3A_7, %dma_start3A_8] : memref<40x125xi32, #tpu.memory_space<vmem>> -> memref<1x125xi32, #tpu.memory_space<vmem>>
    %dma_start3A_10 = tpu.memref_squeeze %dma_start3A_9 : memref<1x125xi32, #tpu.memory_space<vmem>> -> memref<125xi32, #tpu.memory_space<vmem>>
    %dma_start3A_11 = arith.constant 0 : i32
    %dma_start3A_12 = arith.constant 0 : i32
    %dma_start3A_13 = tpu.memref_slice %arg2[%dma_start3A_11, %dma_start3A_12] : memref<10000x128xf32, #tpu.memory_space<hbm>> -> memref<10000x128xf32, #tpu.memory_space<hbm>>
    tpu.enqueue_indirect_dma source(%dma_start3A_13 : memref<10000x128xf32, #tpu.memory_space<hbm>>) target(%arg9 : memref<125x128xf32, #tpu.memory_space<vmem>>) offsets(%dma_start3A_10 : memref<125xi32, #tpu.memory_space<vmem>>) semaphore(%arg12 : memref<!tpu.dma_semaphore, #tpu.memory_space<semaphore_mem>>)
    %dma_wait3A = arith.constant 0 : i32
    %dma_wait3A_14 = tpu.memref_slice %arg11[%mul3A_2, %dma_wait3A] : memref<10240x128xf32, #tpu.memory_space<vmem_shared>> -> memref<640x128xf32, #tpu.memory_space<vmem_shared>>
    %dma_wait3A_15 = arith.constant 0 : i32
    %dma_wait3A_16 = tpu.memref_slice %arg5[%mul3A_0, %dma_wait3A_15] : memref<10240x128xf32, #tpu.memory_space<hbm>> -> memref<640x128xf32, #tpu.memory_space<hbm>>
    tpu.wait_dma2 semaphore(%arg14 : memref<!tpu.dma_semaphore, #tpu.memory_space<semaphore_mem>>) src(%dma_wait3A_16 : memref<640x128xf32, #tpu.memory_space<hbm>>) dst(%dma_wait3A_14 : memref<640x128xf32, #tpu.memory_space<vmem_shared>>)
    %barrier3A = arith.constant 0 : index
    tpu.barrier barrier_id(%barrier3A)
    %scan3A = arith.constant 0 : i32
    %scan3A_17 = arith.constant 0 : i32
    %scan3A_18 = arith.constant 20 : i32
    %scan3A_19 = arith.addi %scan3A_17, %scan3A_18 : i32
    %scan3A_20 = arith.constant 1 : i32
    scf.for %scan3A_42 = %scan3A_17 to %scan3A_19 step %scan3A_20  : i32 {
      %mul3A_43 = arith.constant 2 : i32
      %mul3A_44 = arith.muli %mul3A_43, %scan3A_42 : i32
      %add3A = arith.constant 1 : i32
      %add3A_45 = arith.addi %mul3A_44, %add3A : i32
      %dma_start3A_46 = arith.constant 0 : i32
      %dma_start3A_47 = tpu.memref_slice %arg7[%add3A_45, %dma_start3A_46] : memref<40x125xi32, #tpu.memory_space<vmem>> -> memref<1x125xi32, #tpu.memory_space<vmem>>
      %dma_start3A_48 = tpu.memref_squeeze %dma_start3A_47 : memref<1x125xi32, #tpu.memory_space<vmem>> -> memref<125xi32, #tpu.memory_space<vmem>>
      %dma_start3A_49 = arith.constant 0 : i32
      %dma_start3A_50 = arith.constant 0 : i32
      %dma_start3A_51 = tpu.memref_slice %arg2[%dma_start3A_49, %dma_start3A_50] : memref<10000x128xf32, #tpu.memory_space<hbm>> -> memref<10000x128xf32, #tpu.memory_space<hbm>>
      tpu.enqueue_indirect_dma source(%dma_start3A_51 : memref<10000x128xf32, #tpu.memory_space<hbm>>) target(%arg10 : memref<125x128xf32, #tpu.memory_space<vmem>>) offsets(%dma_start3A_48 : memref<125xi32, #tpu.memory_space<vmem>>) semaphore(%arg13 : memref<!tpu.dma_semaphore, #tpu.memory_space<semaphore_mem>>)
      %dma_wait3A_52 = arith.constant 0 : i32
      %dma_wait3A_53 = tpu.memref_slice %arg7[%mul3A_44, %dma_wait3A_52] : memref<40x125xi32, #tpu.memory_space<vmem>> -> memref<1x125xi32, #tpu.memory_space<vmem>>
      %dma_wait3A_54 = tpu.memref_squeeze %dma_wait3A_53 : memref<1x125xi32, #tpu.memory_space<vmem>> -> memref<125xi32, #tpu.memory_space<vmem>>
      %dma_wait3A_55 = arith.constant 0 : i32
      %dma_wait3A_56 = arith.constant 0 : i32
      %dma_wait3A_57 = tpu.memref_slice %arg2[%dma_wait3A_55, %dma_wait3A_56] : memref<10000x128xf32, #tpu.memory_space<hbm>> -> memref<10000x128xf32, #tpu.memory_space<hbm>>
      tpu.wait_indirect_dma semaphore(%arg12 : memref<!tpu.dma_semaphore, #tpu.memory_space<semaphore_mem>>) src(%dma_wait3A_57 : memref<10000x128xf32, #tpu.memory_space<hbm>>) dst(%arg9 : memref<125x128xf32, #tpu.memory_space<vmem>>)
      %dma_start3A_58 = arith.constant 0 : i32
      %dma_start3A_59 = tpu.memref_slice %arg8[%mul3A_44, %dma_start3A_58] : memref<40x125xi32, #tpu.memory_space<vmem>> -> memref<1x125xi32, #tpu.memory_space<vmem>>
      %dma_start3A_60 = tpu.memref_squeeze %dma_start3A_59 : memref<1x125xi32, #tpu.memory_space<vmem>> -> memref<125xi32, #tpu.memory_space<vmem>>
      %dma_start3A_61 = arith.constant 0 : i32
      %dma_start3A_62 = arith.constant 0 : i32
      %dma_start3A_63 = tpu.memref_slice %arg11[%dma_start3A_61, %dma_start3A_62] : memref<10240x128xf32, #tpu.memory_space<vmem_shared>> -> memref<10240x128xf32, #tpu.memory_space<vmem_shared>>
      tpu.enqueue_indirect_dma source(%arg9 : memref<125x128xf32, #tpu.memory_space<vmem>>) target(%dma_start3A_63 : memref<10240x128xf32, #tpu.memory_space<vmem_shared>>) offsets(%dma_start3A_60 : memref<125xi32, #tpu.memory_space<vmem>>) semaphore(%arg14 : memref<!tpu.dma_semaphore, #tpu.memory_space<semaphore_mem>>) {add = true}
      %dma_wait3A_64 = arith.constant 0 : i32
      %dma_wait3A_65 = tpu.memref_slice %arg8[%mul3A_44, %dma_wait3A_64] : memref<40x125xi32, #tpu.memory_space<vmem>> -> memref<1x125xi32, #tpu.memory_space<vmem>>
      %dma_wait3A_66 = tpu.memref_squeeze %dma_wait3A_65 : memref<1x125xi32, #tpu.memory_space<vmem>> -> memref<125xi32, #tpu.memory_space<vmem>>
      %dma_wait3A_67 = arith.constant 0 : i32
      %dma_wait3A_68 = arith.constant 0 : i32
      %dma_wait3A_69 = tpu.memref_slice %arg11[%dma_wait3A_67, %dma_wait3A_68] : memref<10240x128xf32, #tpu.memory_space<vmem_shared>> -> memref<10240x128xf32, #tpu.memory_space<vmem_shared>>
      tpu.wait_indirect_dma semaphore(%arg14 : memref<!tpu.dma_semaphore, #tpu.memory_space<semaphore_mem>>) src(%arg9 : memref<125x128xf32, #tpu.memory_space<vmem>>) dst(%dma_wait3A_69 : memref<10240x128xf32, #tpu.memory_space<vmem_shared>>)
      %add3A_70 = arith.constant 2 : i32
      %add3A_71 = arith.addi %mul3A_44, %add3A_70 : i32
      %lt3A = arith.constant 40 : i32
      %lt3A_72 = arith.cmpi slt, %add3A_71, %lt3A : i32
      %convert_element_type3A = arith.extui %lt3A_72 : i1 to i32
      %cond3A = arith.constant 0 : i32
      %cond3A_73 = arith.cmpi ne, %convert_element_type3A, %cond3A : i32
      scf.if %cond3A_73 {
        %add3A_96 = arith.constant 2 : i32
        %add3A_97 = arith.addi %mul3A_44, %add3A_96 : i32
        %dma_start3A_98 = arith.constant 0 : i32
        %dma_start3A_99 = tpu.memref_slice %arg7[%add3A_97, %dma_start3A_98] : memref<40x125xi32, #tpu.memory_space<vmem>> -> memref<1x125xi32, #tpu.memory_space<vmem>>
        %dma_start3A_100 = tpu.memref_squeeze %dma_start3A_99 : memref<1x125xi32, #tpu.memory_space<vmem>> -> memref<125xi32, #tpu.memory_space<vmem>>
        %dma_start3A_101 = arith.constant 0 : i32
        %dma_start3A_102 = arith.constant 0 : i32
        %dma_start3A_103 = tpu.memref_slice %arg2[%dma_start3A_101, %dma_start3A_102] : memref<10000x128xf32, #tpu.memory_space<hbm>> -> memref<10000x128xf32, #tpu.memory_space<hbm>>
        tpu.enqueue_indirect_dma source(%dma_start3A_103 : memref<10000x128xf32, #tpu.memory_space<hbm>>) target(%arg9 : memref<125x128xf32, #tpu.memory_space<vmem>>) offsets(%dma_start3A_100 : memref<125xi32, #tpu.memory_space<vmem>>) semaphore(%arg12 : memref<!tpu.dma_semaphore, #tpu.memory_space<semaphore_mem>>)
      } else {
      }
      %add3A_74 = arith.constant 1 : i32
      %add3A_75 = arith.addi %mul3A_44, %add3A_74 : i32
      %dma_wait3A_76 = arith.constant 0 : i32
      %dma_wait3A_77 = tpu.memref_slice %arg7[%add3A_75, %dma_wait3A_76] : memref<40x125xi32, #tpu.memory_space<vmem>> -> memref<1x125xi32, #tpu.memory_space<vmem>>
      %dma_wait3A_78 = tpu.memref_squeeze %dma_wait3A_77 : memref<1x125xi32, #tpu.memory_space<vmem>> -> memref<125xi32, #tpu.memory_space<vmem>>
      %dma_wait3A_79 = arith.constant 0 : i32
      %dma_wait3A_80 = arith.constant 0 : i32
      %dma_wait3A_81 = tpu.memref_slice %arg2[%dma_wait3A_79, %dma_wait3A_80] : memref<10000x128xf32, #tpu.memory_space<hbm>> -> memref<10000x128xf32, #tpu.memory_space<hbm>>
      tpu.wait_indirect_dma semaphore(%arg13 : memref<!tpu.dma_semaphore, #tpu.memory_space<semaphore_mem>>) src(%dma_wait3A_81 : memref<10000x128xf32, #tpu.memory_space<hbm>>) dst(%arg10 : memref<125x128xf32, #tpu.memory_space<vmem>>)
      %add3A_82 = arith.constant 1 : i32
      %add3A_83 = arith.addi %mul3A_44, %add3A_82 : i32
      %dma_start3A_84 = arith.constant 0 : i32
      %dma_start3A_85 = tpu.memref_slice %arg8[%add3A_83, %dma_start3A_84] : memref<40x125xi32, #tpu.memory_space<vmem>> -> memref<1x125xi32, #tpu.memory_space<vmem>>
      %dma_start3A_86 = tpu.memref_squeeze %dma_start3A_85 : memref<1x125xi32, #tpu.memory_space<vmem>> -> memref<125xi32, #tpu.memory_space<vmem>>
      %dma_start3A_87 = arith.constant 0 : i32
      %dma_start3A_88 = arith.constant 0 : i32
      %dma_start3A_89 = tpu.memref_slice %arg11[%dma_start3A_87, %dma_start3A_88] : memref<10240x128xf32, #tpu.memory_space<vmem_shared>> -> memref<10240x128xf32, #tpu.memory_space<vmem_shared>>
      tpu.enqueue_indirect_dma source(%arg10 : memref<125x128xf32, #tpu.memory_space<vmem>>) target(%dma_start3A_89 : memref<10240x128xf32, #tpu.memory_space<vmem_shared>>) offsets(%dma_start3A_86 : memref<125xi32, #tpu.memory_space<vmem>>) semaphore(%arg15 : memref<!tpu.dma_semaphore, #tpu.memory_space<semaphore_mem>>) {add = true}
      %dma_wait3A_90 = arith.constant 0 : i32
      %dma_wait3A_91 = tpu.memref_slice %arg8[%add3A_83, %dma_wait3A_90] : memref<40x125xi32, #tpu.memory_space<vmem>> -> memref<1x125xi32, #tpu.memory_space<vmem>>
      %dma_wait3A_92 = tpu.memref_squeeze %dma_wait3A_91 : memref<1x125xi32, #tpu.memory_space<vmem>> -> memref<125xi32, #tpu.memory_space<vmem>>
      %dma_wait3A_93 = arith.constant 0 : i32
      %dma_wait3A_94 = arith.constant 0 : i32
      %dma_wait3A_95 = tpu.memref_slice %arg11[%dma_wait3A_93, %dma_wait3A_94] : memref<10240x128xf32, #tpu.memory_space<vmem_shared>> -> memref<10240x128xf32, #tpu.memory_space<vmem_shared>>
      tpu.wait_indirect_dma semaphore(%arg15 : memref<!tpu.dma_semaphore, #tpu.memory_space<semaphore_mem>>) src(%arg10 : memref<125x128xf32, #tpu.memory_space<vmem>>) dst(%dma_wait3A_95 : memref<10240x128xf32, #tpu.memory_space<vmem_shared>>)
    }
    %scan3A_21 = arith.constant 20 : i32
    %run_scoped3A_22 = arith.constant 1 : i32
    "tpu.region"() ({
      %run_scoped3A_42 = tpu.sem_alloc : memref<!tpu.dma_semaphore, #tpu.memory_space<semaphore_mem>>
      %dma_start3A_43 = arith.constant 0 : i32
      %dma_start3A_44 = arith.constant 0 : i32
      %dma_start3A_45 = tpu.memref_slice %arg3[%arg0, %arg1, %run_scoped3A_22, %dma_start3A_43, %dma_start3A_44] : memref<2x16x2x40x125xi32, #tpu.memory_space<hbm>> -> memref<1x1x1x40x125xi32, #tpu.memory_space<hbm>>
      %dma_start3A_46 = tpu.memref_squeeze %dma_start3A_45 : memref<1x1x1x40x125xi32, #tpu.memory_space<hbm>> -> memref<40x125xi32, #tpu.memory_space<hbm>>
      %dma_start3A_47 = arith.constant 0 : i32
      %dma_start3A_48 = arith.constant 0 : i32
      %dma_start3A_49 = tpu.memref_slice %arg3[%arg0, %arg1, %run_scoped3A_22, %dma_start3A_47, %dma_start3A_48] : memref<2x16x2x40x125xi32, #tpu.memory_space<hbm>> -> memref<1x1x1x40x125xi32, #tpu.memory_space<hbm>>
      %dma_start3A_50 = tpu.memref_squeeze %dma_start3A_49 : memref<1x1x1x40x125xi32, #tpu.memory_space<hbm>> -> memref<40x125xi32, #tpu.memory_space<hbm>>
      tpu.enqueue_dma source(%dma_start3A_50 : memref<40x125xi32, #tpu.memory_space<hbm>>) target(%arg7 : memref<40x125xi32, #tpu.memory_space<vmem>>) target_semaphore(%run_scoped3A_42 : memref<!tpu.dma_semaphore, #tpu.memory_space<semaphore_mem>>)
      %dma_wait3A_51 = arith.constant 0 : i32
      %dma_wait3A_52 = arith.constant 0 : i32
      %dma_wait3A_53 = tpu.memref_slice %arg3[%arg0, %arg1, %run_scoped3A_22, %dma_wait3A_51, %dma_wait3A_52] : memref<2x16x2x40x125xi32, #tpu.memory_space<hbm>> -> memref<1x1x1x40x125xi32, #tpu.memory_space<hbm>>
      %dma_wait3A_54 = tpu.memref_squeeze %dma_wait3A_53 : memref<1x1x1x40x125xi32, #tpu.memory_space<hbm>> -> memref<40x125xi32, #tpu.memory_space<hbm>>
      %dma_wait3A_55 = arith.constant 0 : i32
      %dma_wait3A_56 = arith.constant 0 : i32
      %dma_wait3A_57 = tpu.memref_slice %arg3[%arg0, %arg1, %run_scoped3A_22, %dma_wait3A_55, %dma_wait3A_56] : memref<2x16x2x40x125xi32, #tpu.memory_space<hbm>> -> memref<1x1x1x40x125xi32, #tpu.memory_space<hbm>>
      %dma_wait3A_58 = tpu.memref_squeeze %dma_wait3A_57 : memref<1x1x1x40x125xi32, #tpu.memory_space<hbm>> -> memref<40x125xi32, #tpu.memory_space<hbm>>
      tpu.wait_dma2 semaphore(%run_scoped3A_42 : memref<!tpu.dma_semaphore, #tpu.memory_space<semaphore_mem>>) src(%dma_wait3A_58 : memref<40x125xi32, #tpu.memory_space<hbm>>) dst(%arg7 : memref<40x125xi32, #tpu.memory_space<vmem>>)
      tpu.yield
    }) : () -> ()
    %run_scoped3A_23 = arith.constant 1 : i32
    "tpu.region"() ({
      %run_scoped3A_42 = tpu.sem_alloc : memref<!tpu.dma_semaphore, #tpu.memory_space<semaphore_mem>>
      %dma_start3A_43 = arith.constant 0 : i32
      %dma_start3A_44 = arith.constant 0 : i32
      %dma_start3A_45 = tpu.memref_slice %arg4[%arg0, %arg1, %run_scoped3A_23, %dma_start3A_43, %dma_start3A_44] : memref<2x16x2x40x125xi32, #tpu.memory_space<hbm>> -> memref<1x1x1x40x125xi32, #tpu.memory_space<hbm>>
      %dma_start3A_46 = tpu.memref_squeeze %dma_start3A_45 : memref<1x1x1x40x125xi32, #tpu.memory_space<hbm>> -> memref<40x125xi32, #tpu.memory_space<hbm>>
      %dma_start3A_47 = arith.constant 0 : i32
      %dma_start3A_48 = arith.constant 0 : i32
      %dma_start3A_49 = tpu.memref_slice %arg4[%arg0, %arg1, %run_scoped3A_23, %dma_start3A_47, %dma_start3A_48] : memref<2x16x2x40x125xi32, #tpu.memory_space<hbm>> -> memref<1x1x1x40x125xi32, #tpu.memory_space<hbm>>
      %dma_start3A_50 = tpu.memref_squeeze %dma_start3A_49 : memref<1x1x1x40x125xi32, #tpu.memory_space<hbm>> -> memref<40x125xi32, #tpu.memory_space<hbm>>
      tpu.enqueue_dma source(%dma_start3A_50 : memref<40x125xi32, #tpu.memory_space<hbm>>) target(%arg8 : memref<40x125xi32, #tpu.memory_space<vmem>>) target_semaphore(%run_scoped3A_42 : memref<!tpu.dma_semaphore, #tpu.memory_space<semaphore_mem>>)
      %dma_wait3A_51 = arith.constant 0 : i32
      %dma_wait3A_52 = arith.constant 0 : i32
      %dma_wait3A_53 = tpu.memref_slice %arg4[%arg0, %arg1, %run_scoped3A_23, %dma_wait3A_51, %dma_wait3A_52] : memref<2x16x2x40x125xi32, #tpu.memory_space<hbm>> -> memref<1x1x1x40x125xi32, #tpu.memory_space<hbm>>
      %dma_wait3A_54 = tpu.memref_squeeze %dma_wait3A_53 : memref<1x1x1x40x125xi32, #tpu.memory_space<hbm>> -> memref<40x125xi32, #tpu.memory_space<hbm>>
      %dma_wait3A_55 = arith.constant 0 : i32
      %dma_wait3A_56 = arith.constant 0 : i32
      %dma_wait3A_57 = tpu.memref_slice %arg4[%arg0, %arg1, %run_scoped3A_23, %dma_wait3A_55, %dma_wait3A_56] : memref<2x16x2x40x125xi32, #tpu.memory_space<hbm>> -> memref<1x1x1x40x125xi32, #tpu.memory_space<hbm>>
      %dma_wait3A_58 = tpu.memref_squeeze %dma_wait3A_57 : memref<1x1x1x40x125xi32, #tpu.memory_space<hbm>> -> memref<40x125xi32, #tpu.memory_space<hbm>>
      tpu.wait_dma2 semaphore(%run_scoped3A_42 : memref<!tpu.dma_semaphore, #tpu.memory_space<semaphore_mem>>) src(%dma_wait3A_58 : memref<40x125xi32, #tpu.memory_space<hbm>>) dst(%arg8 : memref<40x125xi32, #tpu.memory_space<vmem>>)
      tpu.yield
    }) : () -> ()
    %dma_start3A_24 = arith.constant 0 : i32
    %dma_start3A_25 = arith.constant 0 : i32
    %dma_start3A_26 = tpu.memref_slice %arg7[%dma_start3A_24, %dma_start3A_25] : memref<40x125xi32, #tpu.memory_space<vmem>> -> memref<1x125xi32, #tpu.memory_space<vmem>>
    %dma_start3A_27 = tpu.memref_squeeze %dma_start3A_26 : memref<1x125xi32, #tpu.memory_space<vmem>> -> memref<125xi32, #tpu.memory_space<vmem>>
    %dma_start3A_28 = arith.constant 0 : i32
    %dma_start3A_29 = arith.constant 0 : i32
    %dma_start3A_30 = tpu.memref_slice %arg2[%dma_start3A_28, %dma_start3A_29] : memref<10000x128xf32, #tpu.memory_space<hbm>> -> memref<10000x128xf32, #tpu.memory_space<hbm>>
    tpu.enqueue_indirect_dma source(%dma_start3A_30 : memref<10000x128xf32, #tpu.memory_space<hbm>>) target(%arg9 : memref<125x128xf32, #tpu.memory_space<vmem>>) offsets(%dma_start3A_27 : memref<125xi32, #tpu.memory_space<vmem>>) semaphore(%arg12 : memref<!tpu.dma_semaphore, #tpu.memory_space<semaphore_mem>>)
    %scan3A_31 = arith.constant 0 : i32
    %scan3A_32 = arith.constant 0 : i32
    %scan3A_33 = arith.constant 20 : i32
    %scan3A_34 = arith.addi %scan3A_32, %scan3A_33 : i32
    %scan3A_35 = arith.constant 1 : i32
    scf.for %scan3A_42 = %scan3A_32 to %scan3A_34 step %scan3A_35  : i32 {
      %mul3A_43 = arith.constant 2 : i32
      %mul3A_44 = arith.muli %mul3A_43, %scan3A_42 : i32
      %add3A = arith.constant 1 : i32
      %add3A_45 = arith.addi %mul3A_44, %add3A : i32
      %dma_start3A_46 = arith.constant 0 : i32
      %dma_start3A_47 = tpu.memref_slice %arg7[%add3A_45, %dma_start3A_46] : memref<40x125xi32, #tpu.memory_space<vmem>> -> memref<1x125xi32, #tpu.memory_space<vmem>>
      %dma_start3A_48 = tpu.memref_squeeze %dma_start3A_47 : memref<1x125xi32, #tpu.memory_space<vmem>> -> memref<125xi32, #tpu.memory_space<vmem>>
      %dma_start3A_49 = arith.constant 0 : i32
      %dma_start3A_50 = arith.constant 0 : i32
      %dma_start3A_51 = tpu.memref_slice %arg2[%dma_start3A_49, %dma_start3A_50] : memref<10000x128xf32, #tpu.memory_space<hbm>> -> memref<10000x128xf32, #tpu.memory_space<hbm>>
      tpu.enqueue_indirect_dma source(%dma_start3A_51 : memref<10000x128xf32, #tpu.memory_space<hbm>>) target(%arg10 : memref<125x128xf32, #tpu.memory_space<vmem>>) offsets(%dma_start3A_48 : memref<125xi32, #tpu.memory_space<vmem>>) semaphore(%arg13 : memref<!tpu.dma_semaphore, #tpu.memory_space<semaphore_mem>>)
      %dma_wait3A_52 = arith.constant 0 : i32
      %dma_wait3A_53 = tpu.memref_slice %arg7[%mul3A_44, %dma_wait3A_52] : memref<40x125xi32, #tpu.memory_space<vmem>> -> memref<1x125xi32, #tpu.memory_space<vmem>>
      %dma_wait3A_54 = tpu.memref_squeeze %dma_wait3A_53 : memref<1x125xi32, #tpu.memory_space<vmem>> -> memref<125xi32, #tpu.memory_space<vmem>>
      %dma_wait3A_55 = arith.constant 0 : i32
      %dma_wait3A_56 = arith.constant 0 : i32
      %dma_wait3A_57 = tpu.memref_slice %arg2[%dma_wait3A_55, %dma_wait3A_56] : memref<10000x128xf32, #tpu.memory_space<hbm>> -> memref<10000x128xf32, #tpu.memory_space<hbm>>
      tpu.wait_indirect_dma semaphore(%arg12 : memref<!tpu.dma_semaphore, #tpu.memory_space<semaphore_mem>>) src(%dma_wait3A_57 : memref<10000x128xf32, #tpu.memory_space<hbm>>) dst(%arg9 : memref<125x128xf32, #tpu.memory_space<vmem>>)
      %dma_start3A_58 = arith.constant 0 : i32
      %dma_start3A_59 = tpu.memref_slice %arg8[%mul3A_44, %dma_start3A_58] : memref<40x125xi32, #tpu.memory_space<vmem>> -> memref<1x125xi32, #tpu.memory_space<vmem>>
      %dma_start3A_60 = tpu.memref_squeeze %dma_start3A_59 : memref<1x125xi32, #tpu.memory_space<vmem>> -> memref<125xi32, #tpu.memory_space<vmem>>
      %dma_start3A_61 = arith.constant 0 : i32
      %dma_start3A_62 = arith.constant 0 : i32
      %dma_start3A_63 = tpu.memref_slice %arg11[%dma_start3A_61, %dma_start3A_62] : memref<10240x128xf32, #tpu.memory_space<vmem_shared>> -> memref<10240x128xf32, #tpu.memory_space<vmem_shared>>
      tpu.enqueue_indirect_dma source(%arg9 : memref<125x128xf32, #tpu.memory_space<vmem>>) target(%dma_start3A_63 : memref<10240x128xf32, #tpu.memory_space<vmem_shared>>) offsets(%dma_start3A_60 : memref<125xi32, #tpu.memory_space<vmem>>) semaphore(%arg14 : memref<!tpu.dma_semaphore, #tpu.memory_space<semaphore_mem>>) {add = true}
      %dma_wait3A_64 = arith.constant 0 : i32
      %dma_wait3A_65 = tpu.memref_slice %arg8[%mul3A_44, %dma_wait3A_64] : memref<40x125xi32, #tpu.memory_space<vmem>> -> memref<1x125xi32, #tpu.memory_space<vmem>>
      %dma_wait3A_66 = tpu.memref_squeeze %dma_wait3A_65 : memref<1x125xi32, #tpu.memory_space<vmem>> -> memref<125xi32, #tpu.memory_space<vmem>>
      %dma_wait3A_67 = arith.constant 0 : i32
      %dma_wait3A_68 = arith.constant 0 : i32
      %dma_wait3A_69 = tpu.memref_slice %arg11[%dma_wait3A_67, %dma_wait3A_68] : memref<10240x128xf32, #tpu.memory_space<vmem_shared>> -> memref<10240x128xf32, #tpu.memory_space<vmem_shared>>
      tpu.wait_indirect_dma semaphore(%arg14 : memref<!tpu.dma_semaphore, #tpu.memory_space<semaphore_mem>>) src(%arg9 : memref<125x128xf32, #tpu.memory_space<vmem>>) dst(%dma_wait3A_69 : memref<10240x128xf32, #tpu.memory_space<vmem_shared>>)
      %add3A_70 = arith.constant 2 : i32
      %add3A_71 = arith.addi %mul3A_44, %add3A_70 : i32
      %lt3A = arith.constant 40 : i32
      %lt3A_72 = arith.cmpi slt, %add3A_71, %lt3A : i32
      %convert_element_type3A = arith.extui %lt3A_72 : i1 to i32
      %cond3A = arith.constant 0 : i32
      %cond3A_73 = arith.cmpi ne, %convert_element_type3A, %cond3A : i32
      scf.if %cond3A_73 {
        %add3A_96 = arith.constant 2 : i32
        %add3A_97 = arith.addi %mul3A_44, %add3A_96 : i32
        %dma_start3A_98 = arith.constant 0 : i32
        %dma_start3A_99 = tpu.memref_slice %arg7[%add3A_97, %dma_start3A_98] : memref<40x125xi32, #tpu.memory_space<vmem>> -> memref<1x125xi32, #tpu.memory_space<vmem>>
        %dma_start3A_100 = tpu.memref_squeeze %dma_start3A_99 : memref<1x125xi32, #tpu.memory_space<vmem>> -> memref<125xi32, #tpu.memory_space<vmem>>
        %dma_start3A_101 = arith.constant 0 : i32
        %dma_start3A_102 = arith.constant 0 : i32
        %dma_start3A_103 = tpu.memref_slice %arg2[%dma_start3A_101, %dma_start3A_102] : memref<10000x128xf32, #tpu.memory_space<hbm>> -> memref<10000x128xf32, #tpu.memory_space<hbm>>
        tpu.enqueue_indirect_dma source(%dma_start3A_103 : memref<10000x128xf32, #tpu.memory_space<hbm>>) target(%arg9 : memref<125x128xf32, #tpu.memory_space<vmem>>) offsets(%dma_start3A_100 : memref<125xi32, #tpu.memory_space<vmem>>) semaphore(%arg12 : memref<!tpu.dma_semaphore, #tpu.memory_space<semaphore_mem>>)
      } else {
      }
      %add3A_74 = arith.constant 1 : i32
      %add3A_75 = arith.addi %mul3A_44, %add3A_74 : i32
      %dma_wait3A_76 = arith.constant 0 : i32
      %dma_wait3A_77 = tpu.memref_slice %arg7[%add3A_75, %dma_wait3A_76] : memref<40x125xi32, #tpu.memory_space<vmem>> -> memref<1x125xi32, #tpu.memory_space<vmem>>
      %dma_wait3A_78 = tpu.memref_squeeze %dma_wait3A_77 : memref<1x125xi32, #tpu.memory_space<vmem>> -> memref<125xi32, #tpu.memory_space<vmem>>
      %dma_wait3A_79 = arith.constant 0 : i32
      %dma_wait3A_80 = arith.constant 0 : i32
      %dma_wait3A_81 = tpu.memref_slice %arg2[%dma_wait3A_79, %dma_wait3A_80] : memref<10000x128xf32, #tpu.memory_space<hbm>> -> memref<10000x128xf32, #tpu.memory_space<hbm>>
      tpu.wait_indirect_dma semaphore(%arg13 : memref<!tpu.dma_semaphore, #tpu.memory_space<semaphore_mem>>) src(%dma_wait3A_81 : memref<10000x128xf32, #tpu.memory_space<hbm>>) dst(%arg10 : memref<125x128xf32, #tpu.memory_space<vmem>>)
      %add3A_82 = arith.constant 1 : i32
      %add3A_83 = arith.addi %mul3A_44, %add3A_82 : i32
      %dma_start3A_84 = arith.constant 0 : i32
      %dma_start3A_85 = tpu.memref_slice %arg8[%add3A_83, %dma_start3A_84] : memref<40x125xi32, #tpu.memory_space<vmem>> -> memref<1x125xi32, #tpu.memory_space<vmem>>
      %dma_start3A_86 = tpu.memref_squeeze %dma_start3A_85 : memref<1x125xi32, #tpu.memory_space<vmem>> -> memref<125xi32, #tpu.memory_space<vmem>>
      %dma_start3A_87 = arith.constant 0 : i32
      %dma_start3A_88 = arith.constant 0 : i32
      %dma_start3A_89 = tpu.memref_slice %arg11[%dma_start3A_87, %dma_start3A_88] : memref<10240x128xf32, #tpu.memory_space<vmem_shared>> -> memref<10240x128xf32, #tpu.memory_space<vmem_shared>>
      tpu.enqueue_indirect_dma source(%arg10 : memref<125x128xf32, #tpu.memory_space<vmem>>) target(%dma_start3A_89 : memref<10240x128xf32, #tpu.memory_space<vmem_shared>>) offsets(%dma_start3A_86 : memref<125xi32, #tpu.memory_space<vmem>>) semaphore(%arg15 : memref<!tpu.dma_semaphore, #tpu.memory_space<semaphore_mem>>) {add = true}
      %dma_wait3A_90 = arith.constant 0 : i32
      %dma_wait3A_91 = tpu.memref_slice %arg8[%add3A_83, %dma_wait3A_90] : memref<40x125xi32, #tpu.memory_space<vmem>> -> memref<1x125xi32, #tpu.memory_space<vmem>>
      %dma_wait3A_92 = tpu.memref_squeeze %dma_wait3A_91 : memref<1x125xi32, #tpu.memory_space<vmem>> -> memref<125xi32, #tpu.memory_space<vmem>>
      %dma_wait3A_93 = arith.constant 0 : i32
      %dma_wait3A_94 = arith.constant 0 : i32
      %dma_wait3A_95 = tpu.memref_slice %arg11[%dma_wait3A_93, %dma_wait3A_94] : memref<10240x128xf32, #tpu.memory_space<vmem_shared>> -> memref<10240x128xf32, #tpu.memory_space<vmem_shared>>
      tpu.wait_indirect_dma semaphore(%arg15 : memref<!tpu.dma_semaphore, #tpu.memory_space<semaphore_mem>>) src(%arg10 : memref<125x128xf32, #tpu.memory_space<vmem>>) dst(%dma_wait3A_95 : memref<10240x128xf32, #tpu.memory_space<vmem_shared>>)
    }
    %scan3A_36 = arith.constant 20 : i32
    %barrier3A_37 = arith.constant 0 : index
    tpu.barrier barrier_id(%barrier3A_37)
    %mul3A_38 = arith.constant 640 : i32
    %mul3A_39 = arith.muli %arg1, %mul3A_38 : i32
    %mul3A_40 = arith.constant 640 : i32
    %mul3A_41 = arith.muli %arg1, %mul3A_40 : i32
    "tpu.region"() ({
      %run_scoped3A_42 = tpu.sem_alloc : memref<!tpu.dma_semaphore, #tpu.memory_space<semaphore_mem>>
      %dma_start3A_43 = arith.constant 0 : i32
      %dma_start3A_44 = tpu.memref_slice %arg6[%arg0, %mul3A_41, %dma_start3A_43] : memref<2x10240x128xf32, #tpu.memory_space<hbm>> -> memref<1x640x128xf32, #tpu.memory_space<hbm>>
      %dma_start3A_45 = tpu.memref_squeeze %dma_start3A_44 : memref<1x640x128xf32, #tpu.memory_space<hbm>> -> memref<640x128xf32, #tpu.memory_space<hbm>>
      %dma_start3A_46 = arith.constant 0 : i32
      %dma_start3A_47 = tpu.memref_slice %arg11[%mul3A_39, %dma_start3A_46] : memref<10240x128xf32, #tpu.memory_space<vmem_shared>> -> memref<640x128xf32, #tpu.memory_space<vmem_shared>>
      tpu.enqueue_dma source(%dma_start3A_47 : memref<640x128xf32, #tpu.memory_space<vmem_shared>>) target(%dma_start3A_45 : memref<640x128xf32, #tpu.memory_space<hbm>>) target_semaphore(%run_scoped3A_42 : memref<!tpu.dma_semaphore, #tpu.memory_space<semaphore_mem>>)
      %dma_wait3A_48 = arith.constant 0 : i32
      %dma_wait3A_49 = tpu.memref_slice %arg6[%arg0, %mul3A_41, %dma_wait3A_48] : memref<2x10240x128xf32, #tpu.memory_space<hbm>> -> memref<1x640x128xf32, #tpu.memory_space<hbm>>
      %dma_wait3A_50 = tpu.memref_squeeze %dma_wait3A_49 : memref<1x640x128xf32, #tpu.memory_space<hbm>> -> memref<640x128xf32, #tpu.memory_space<hbm>>
      %dma_wait3A_51 = arith.constant 0 : i32
      %dma_wait3A_52 = tpu.memref_slice %arg11[%mul3A_39, %dma_wait3A_51] : memref<10240x128xf32, #tpu.memory_space<vmem_shared>> -> memref<640x128xf32, #tpu.memory_space<vmem_shared>>
      tpu.wait_dma2 semaphore(%run_scoped3A_42 : memref<!tpu.dma_semaphore, #tpu.memory_space<semaphore_mem>>) src(%dma_wait3A_52 : memref<640x128xf32, #tpu.memory_space<vmem_shared>>) dst(%dma_wait3A_50 : memref<640x128xf32, #tpu.memory_space<hbm>>)
      tpu.yield
    }) : () -> ()
    return
  }
}

#map = affine_map<(d0, d1) -> (0, 0)>
#map1 = affine_map<(d0, d1) -> (0, 0, 0, 0, 0)>
#map2 = affine_map<(d0, d1) -> (0, 0, 0)>
module attributes {stable_mosaic.version = 14 : i64} {
  func.func @_spmm_kernel(%arg0: i32, %arg1: i32, %arg2: memref<10000x128xf32, #tpu.memory_space<hbm>>, %arg3: memref<2x16x2x40x125xi32, #tpu.memory_space<hbm>>, %arg4: memref<2x16x2x40x125xi32, #tpu.memory_space<hbm>>, %arg5: memref<10240x128xf32, #tpu.memory_space<hbm>>, %arg6: memref<2x10240x128xf32, #tpu.memory_space<hbm>>, %arg7: memref<40x125xi32, #tpu.memory_space<vmem>>, %arg8: memref<40x125xi32, #tpu.memory_space<vmem>>, %arg9: memref<125x128xf32, #tpu.memory_space<vmem>>, %arg10: memref<125x128xf32, #tpu.memory_space<vmem>>, %arg11: memref<10240x128xf32, #tpu.memory_space<vmem_shared>>, %arg12: memref<!tpu.dma_semaphore, #tpu.memory_space<semaphore_mem>>, %arg13: memref<!tpu.dma_semaphore, #tpu.memory_space<semaphore_mem>>, %arg14: memref<!tpu.dma_semaphore, #tpu.memory_space<semaphore_mem>>, %arg15: memref<!tpu.dma_semaphore, #tpu.memory_space<semaphore_mem>>) attributes {dimension_semantics = [#tpu.dimension_semantics<core_parallel>, #tpu.dimension_semantics<subcore_parallel>], iteration_bounds = array<i64: 2, 16>, scalar_prefetch = 0 : i64, scratch_operands = 9 : i64, tpu.core_type = #tpu.core_type<sc_vector_subcore>, window_params = [{transform_indices = #map}, {transform_indices = #map1}, {transform_indices = #map1}, {transform_indices = #map}, {transform_indices = #map2}]} {
    %mul3A = arith.constant 640 : i32
    %mul3A_0 = arith.muli %arg1, %mul3A : i32
    %mul3A_1 = arith.constant 640 : i32
    %mul3A_2 = arith.muli %arg1, %mul3A_1 : i32
    %dma_start3A = arith.constant 0 : i32
    %dma_start3A_3 = tpu.memref_slice %arg11[%mul3A_2, %dma_start3A] : memref<10240x128xf32, #tpu.memory_space<vmem_shared>> -> memref<640x128xf32, #tpu.memory_space<vmem_shared>>
    %dma_start3A_4 = arith.constant 0 : i32
    %dma_start3A_5 = tpu.memref_slice %arg5[%mul3A_0, %dma_start3A_4] : memref<10240x128xf32, #tpu.memory_space<hbm>> -> memref<640x128xf32, #tpu.memory_space<hbm>>
    tpu.enqueue_dma source(%dma_start3A_5 : memref<640x128xf32, #tpu.memory_space<hbm>>) target(%dma_start3A_3 : memref<640x128xf32, #tpu.memory_space<vmem_shared>>) target_semaphore(%arg14 : memref<!tpu.dma_semaphore, #tpu.memory_space<semaphore_mem>>)
    %run_scoped3A = arith.constant 0 : i32
    "tpu.region"() ({
      %run_scoped3A_42 = tpu.sem_alloc : memref<!tpu.dma_semaphore, #tpu.memory_space<semaphore_mem>>
      %dma_start3A_43 = arith.constant 0 : i32
      %dma_start3A_44 = arith.constant 0 : i32
      %dma_start3A_45 = tpu.memref_slice %arg3[%arg0, %arg1, %run_scoped3A, %dma_start3A_43, %dma_start3A_44] : memref<2x16x2x40x125xi32, #tpu.memory_space<hbm>> -> memref<1x1x1x40x125xi32, #tpu.memory_space<hbm>>
      %dma_start3A_46 = tpu.memref_squeeze %dma_start3A_45 : memref<1x1x1x40x125xi32, #tpu.memory_space<hbm>> -> memref<40x125xi32, #tpu.memory_space<hbm>>
      %dma_start3A_47 = arith.constant 0 : i32
      %dma_start3A_48 = arith.constant 0 : i32
      %dma_start3A_49 = tpu.memref_slice %arg3[%arg0, %arg1, %run_scoped3A, %dma_start3A_47, %dma_start3A_48] : memref<2x16x2x40x125xi32, #tpu.memory_space<hbm>> -> memref<1x1x1x40x125xi32, #tpu.memory_space<hbm>>
      %dma_start3A_50 = tpu.memref_squeeze %dma_start3A_49 : memref<1x1x1x40x125xi32, #tpu.memory_space<hbm>> -> memref<40x125xi32, #tpu.memory_space<hbm>>
      tpu.enqueue_dma source(%dma_start3A_50 : memref<40x125xi32, #tpu.memory_space<hbm>>) target(%arg7 : memref<40x125xi32, #tpu.memory_space<vmem>>) target_semaphore(%run_scoped3A_42 : memref<!tpu.dma_semaphore, #tpu.memory_space<semaphore_mem>>)
      %dma_wait3A_51 = arith.constant 0 : i32
      %dma_wait3A_52 = arith.constant 0 : i32
      %dma_wait3A_53 = tpu.memref_slice %arg3[%arg0, %arg1, %run_scoped3A, %dma_wait3A_51, %dma_wait3A_52] : memref<2x16x2x40x125xi32, #tpu.memory_space<hbm>> -> memref<1x1x1x40x125xi32, #tpu.memory_space<hbm>>
      %dma_wait3A_54 = tpu.memref_squeeze %dma_wait3A_53 : memref<1x1x1x40x125xi32, #tpu.memory_space<hbm>> -> memref<40x125xi32, #tpu.memory_space<hbm>>
      %dma_wait3A_55 = arith.constant 0 : i32
      %dma_wait3A_56 = arith.constant 0 : i32
      %dma_wait3A_57 = tpu.memref_slice %arg3[%arg0, %arg1, %run_scoped3A, %dma_wait3A_55, %dma_wait3A_56] : memref<2x16x2x40x125xi32, #tpu.memory_space<hbm>> -> memref<1x1x1x40x125xi32, #tpu.memory_space<hbm>>
      %dma_wait3A_58 = tpu.memref_squeeze %dma_wait3A_57 : memref<1x1x1x40x125xi32, #tpu.memory_space<hbm>> -> memref<40x125xi32, #tpu.memory_space<hbm>>
      tpu.wait_dma2 semaphore(%run_scoped3A_42 : memref<!tpu.dma_semaphore, #tpu.memory_space<semaphore_mem>>) src(%dma_wait3A_58 : memref<40x125xi32, #tpu.memory_space<hbm>>) dst(%arg7 : memref<40x125xi32, #tpu.memory_space<vmem>>)
      tpu.yield
    }) : () -> ()
    %run_scoped3A_6 = arith.constant 0 : i32
    "tpu.region"() ({
      %run_scoped3A_42 = tpu.sem_alloc : memref<!tpu.dma_semaphore, #tpu.memory_space<semaphore_mem>>
      %dma_start3A_43 = arith.constant 0 : i32
      %dma_start3A_44 = arith.constant 0 : i32
      %dma_start3A_45 = tpu.memref_slice %arg4[%arg0, %arg1, %run_scoped3A_6, %dma_start3A_43, %dma_start3A_44] : memref<2x16x2x40x125xi32, #tpu.memory_space<hbm>> -> memref<1x1x1x40x125xi32, #tpu.memory_space<hbm>>
      %dma_start3A_46 = tpu.memref_squeeze %dma_start3A_45 : memref<1x1x1x40x125xi32, #tpu.memory_space<hbm>> -> memref<40x125xi32, #tpu.memory_space<hbm>>
      %dma_start3A_47 = arith.constant 0 : i32
      %dma_start3A_48 = arith.constant 0 : i32
      %dma_start3A_49 = tpu.memref_slice %arg4[%arg0, %arg1, %run_scoped3A_6, %dma_start3A_47, %dma_start3A_48] : memref<2x16x2x40x125xi32, #tpu.memory_space<hbm>> -> memref<1x1x1x40x125xi32, #tpu.memory_space<hbm>>
      %dma_start3A_50 = tpu.memref_squeeze %dma_start3A_49 : memref<1x1x1x40x125xi32, #tpu.memory_space<hbm>> -> memref<40x125xi32, #tpu.memory_space<hbm>>
      tpu.enqueue_dma source(%dma_start3A_50 : memref<40x125xi32, #tpu.memory_space<hbm>>) target(%arg8 : memref<40x125xi32, #tpu.memory_space<vmem>>) target_semaphore(%run_scoped3A_42 : memref<!tpu.dma_semaphore, #tpu.memory_space<semaphore_mem>>)
      %dma_wait3A_51 = arith.constant 0 : i32
      %dma_wait3A_52 = arith.constant 0 : i32
      %dma_wait3A_53 = tpu.memref_slice %arg4[%arg0, %arg1, %run_scoped3A_6, %dma_wait3A_51, %dma_wait3A_52] : memref<2x16x2x40x125xi32, #tpu.memory_space<hbm>> -> memref<1x1x1x40x125xi32, #tpu.memory_space<hbm>>
      %dma_wait3A_54 = tpu.memref_squeeze %dma_wait3A_53 : memref<1x1x1x40x125xi32, #tpu.memory_space<hbm>> -> memref<40x125xi32, #tpu.memory_space<hbm>>
      %dma_wait3A_55 = arith.constant 0 : i32
      %dma_wait3A_56 = arith.constant 0 : i32
      %dma_wait3A_57 = tpu.memref_slice %arg4[%arg0, %arg1, %run_scoped3A_6, %dma_wait3A_55, %dma_wait3A_56] : memref<2x16x2x40x125xi32, #tpu.memory_space<hbm>> -> memref<1x1x1x40x125xi32, #tpu.memory_space<hbm>>
      %dma_wait3A_58 = tpu.memref_squeeze %dma_wait3A_57 : memref<1x1x1x40x125xi32, #tpu.memory_space<hbm>> -> memref<40x125xi32, #tpu.memory_space<hbm>>
      tpu.wait_dma2 semaphore(%run_scoped3A_42 : memref<!tpu.dma_semaphore, #tpu.memory_space<semaphore_mem>>) src(%dma_wait3A_58 : memref<40x125xi32, #tpu.memory_space<hbm>>) dst(%arg8 : memref<40x125xi32, #tpu.memory_space<vmem>>)
      tpu.yield
    }) : () -> ()
    %dma_start3A_7 = arith.constant 0 : i32
    %dma_start3A_8 = arith.constant 0 : i32
    %dma_start3A_9 = tpu.memref_slice %arg7[%dma_start3A_7, %dma_start3A_8] : memref<40x125xi32, #tpu.memory_space<vmem>> -> memref<1x125xi32, #tpu.memory_space<vmem>>
    %dma_start3A_10 = tpu.memref_squeeze %dma_start3A_9 : memref<1x125xi32, #tpu.memory_space<vmem>> -> memref<125xi32, #tpu.memory_space<vmem>>
    %dma_start3A_11 = arith.constant 0 : i32
    %dma_start3A_12 = arith.constant 0 : i32
    %dma_start3A_13 = tpu.memref_slice %arg2[%dma_start3A_11, %dma_start3A_12] : memref<10000x128xf32, #tpu.memory_space<hbm>> -> memref<10000x128xf32, #tpu.memory_space<hbm>>
    tpu.enqueue_indirect_dma source(%dma_start3A_13 : memref<10000x128xf32, #tpu.memory_space<hbm>>) target(%arg9 : memref<125x128xf32, #tpu.memory_space<vmem>>) offsets(%dma_start3A_10 : memref<125xi32, #tpu.memory_space<vmem>>) semaphore(%arg12 : memref<!tpu.dma_semaphore, #tpu.memory_space<semaphore_mem>>)
    %dma_wait3A = arith.constant 0 : i32
    %dma_wait3A_14 = tpu.memref_slice %arg11[%mul3A_2, %dma_wait3A] : memref<10240x128xf32, #tpu.memory_space<vmem_shared>> -> memref<640x128xf32, #tpu.memory_space<vmem_shared>>
    %dma_wait3A_15 = arith.constant 0 : i32
    %dma_wait3A_16 = tpu.memref_slice %arg5[%mul3A_0, %dma_wait3A_15] : memref<10240x128xf32, #tpu.memory_space<hbm>> -> memref<640x128xf32, #tpu.memory_space<hbm>>
    tpu.wait_dma2 semaphore(%arg14 : memref<!tpu.dma_semaphore, #tpu.memory_space<semaphore_mem>>) src(%dma_wait3A_16 : memref<640x128xf32, #tpu.memory_space<hbm>>) dst(%dma_wait3A_14 : memref<640x128xf32, #tpu.memory_space<vmem_shared>>)
    %barrier3A = arith.constant 0 : index
    tpu.barrier barrier_id(%barrier3A)
    %scan3A = arith.constant 0 : i32
    %scan3A_17 = arith.constant 0 : i32
    %scan3A_18 = arith.constant 20 : i32
    %scan3A_19 = arith.addi %scan3A_17, %scan3A_18 : i32
    %scan3A_20 = arith.constant 1 : i32
    scf.for %scan3A_42 = %scan3A_17 to %scan3A_19 step %scan3A_20  : i32 {
      %mul3A_43 = arith.constant 2 : i32
      %mul3A_44 = arith.muli %mul3A_43, %scan3A_42 : i32
      %add3A = arith.constant 1 : i32
      %add3A_45 = arith.addi %mul3A_44, %add3A : i32
      %dma_start3A_46 = arith.constant 0 : i32
      %dma_start3A_47 = tpu.memref_slice %arg7[%add3A_45, %dma_start3A_46] : memref<40x125xi32, #tpu.memory_space<vmem>> -> memref<1x125xi32, #tpu.memory_space<vmem>>
      %dma_start3A_48 = tpu.memref_squeeze %dma_start3A_47 : memref<1x125xi32, #tpu.memory_space<vmem>> -> memref<125xi32, #tpu.memory_space<vmem>>
      %dma_start3A_49 = arith.constant 0 : i32
      %dma_start3A_50 = arith.constant 0 : i32
      %dma_start3A_51 = tpu.memref_slice %arg2[%dma_start3A_49, %dma_start3A_50] : memref<10000x128xf32, #tpu.memory_space<hbm>> -> memref<10000x128xf32, #tpu.memory_space<hbm>>
      tpu.enqueue_indirect_dma source(%dma_start3A_51 : memref<10000x128xf32, #tpu.memory_space<hbm>>) target(%arg10 : memref<125x128xf32, #tpu.memory_space<vmem>>) offsets(%dma_start3A_48 : memref<125xi32, #tpu.memory_space<vmem>>) semaphore(%arg13 : memref<!tpu.dma_semaphore, #tpu.memory_space<semaphore_mem>>)
      %dma_wait3A_52 = arith.constant 0 : i32
      %dma_wait3A_53 = tpu.memref_slice %arg7[%mul3A_44, %dma_wait3A_52] : memref<40x125xi32, #tpu.memory_space<vmem>> -> memref<1x125xi32, #tpu.memory_space<vmem>>
      %dma_wait3A_54 = tpu.memref_squeeze %dma_wait3A_53 : memref<1x125xi32, #tpu.memory_space<vmem>> -> memref<125xi32, #tpu.memory_space<vmem>>
      %dma_wait3A_55 = arith.constant 0 : i32
      %dma_wait3A_56 = arith.constant 0 : i32
      %dma_wait3A_57 = tpu.memref_slice %arg2[%dma_wait3A_55, %dma_wait3A_56] : memref<10000x128xf32, #tpu.memory_space<hbm>> -> memref<10000x128xf32, #tpu.memory_space<hbm>>
      tpu.wait_indirect_dma semaphore(%arg12 : memref<!tpu.dma_semaphore, #tpu.memory_space<semaphore_mem>>) src(%dma_wait3A_57 : memref<10000x128xf32, #tpu.memory_space<hbm>>) dst(%arg9 : memref<125x128xf32, #tpu.memory_space<vmem>>)
      %dma_start3A_58 = arith.constant 0 : i32
      %dma_start3A_59 = tpu.memref_slice %arg8[%mul3A_44, %dma_start3A_58] : memref<40x125xi32, #tpu.memory_space<vmem>> -> memref<1x125xi32, #tpu.memory_space<vmem>>
      %dma_start3A_60 = tpu.memref_squeeze %dma_start3A_59 : memref<1x125xi32, #tpu.memory_space<vmem>> -> memref<125xi32, #tpu.memory_space<vmem>>
      %dma_start3A_61 = arith.constant 0 : i32
      %dma_start3A_62 = arith.constant 0 : i32
      %dma_start3A_63 = tpu.memref_slice %arg11[%dma_start3A_61, %dma_start3A_62] : memref<10240x128xf32, #tpu.memory_space<vmem_shared>> -> memref<10240x128xf32, #tpu.memory_space<vmem_shared>>
      tpu.enqueue_indirect_dma source(%arg9 : memref<125x128xf32, #tpu.memory_space<vmem>>) target(%dma_start3A_63 : memref<10240x128xf32, #tpu.memory_space<vmem_shared>>) offsets(%dma_start3A_60 : memref<125xi32, #tpu.memory_space<vmem>>) semaphore(%arg14 : memref<!tpu.dma_semaphore, #tpu.memory_space<semaphore_mem>>) {add = true}
      %dma_wait3A_64 = arith.constant 0 : i32
      %dma_wait3A_65 = tpu.memref_slice %arg8[%mul3A_44, %dma_wait3A_64] : memref<40x125xi32, #tpu.memory_space<vmem>> -> memref<1x125xi32, #tpu.memory_space<vmem>>
      %dma_wait3A_66 = tpu.memref_squeeze %dma_wait3A_65 : memref<1x125xi32, #tpu.memory_space<vmem>> -> memref<125xi32, #tpu.memory_space<vmem>>
      %dma_wait3A_67 = arith.constant 0 : i32
      %dma_wait3A_68 = arith.constant 0 : i32
      %dma_wait3A_69 = tpu.memref_slice %arg11[%dma_wait3A_67, %dma_wait3A_68] : memref<10240x128xf32, #tpu.memory_space<vmem_shared>> -> memref<10240x128xf32, #tpu.memory_space<vmem_shared>>
      tpu.wait_indirect_dma semaphore(%arg14 : memref<!tpu.dma_semaphore, #tpu.memory_space<semaphore_mem>>) src(%arg9 : memref<125x128xf32, #tpu.memory_space<vmem>>) dst(%dma_wait3A_69 : memref<10240x128xf32, #tpu.memory_space<vmem_shared>>)
      %add3A_70 = arith.constant 2 : i32
      %add3A_71 = arith.addi %mul3A_44, %add3A_70 : i32
      %lt3A = arith.constant 40 : i32
      %lt3A_72 = arith.cmpi slt, %add3A_71, %lt3A : i32
      %convert_element_type3A = arith.extui %lt3A_72 : i1 to i32
      %cond3A = arith.constant 0 : i32
      %cond3A_73 = arith.cmpi ne, %convert_element_type3A, %cond3A : i32
      scf.if %cond3A_73 {
        %add3A_96 = arith.constant 2 : i32
        %add3A_97 = arith.addi %mul3A_44, %add3A_96 : i32
        %dma_start3A_98 = arith.constant 0 : i32
        %dma_start3A_99 = tpu.memref_slice %arg7[%add3A_97, %dma_start3A_98] : memref<40x125xi32, #tpu.memory_space<vmem>> -> memref<1x125xi32, #tpu.memory_space<vmem>>
        %dma_start3A_100 = tpu.memref_squeeze %dma_start3A_99 : memref<1x125xi32, #tpu.memory_space<vmem>> -> memref<125xi32, #tpu.memory_space<vmem>>
        %dma_start3A_101 = arith.constant 0 : i32
        %dma_start3A_102 = arith.constant 0 : i32
        %dma_start3A_103 = tpu.memref_slice %arg2[%dma_start3A_101, %dma_start3A_102] : memref<10000x128xf32, #tpu.memory_space<hbm>> -> memref<10000x128xf32, #tpu.memory_space<hbm>>
        tpu.enqueue_indirect_dma source(%dma_start3A_103 : memref<10000x128xf32, #tpu.memory_space<hbm>>) target(%arg9 : memref<125x128xf32, #tpu.memory_space<vmem>>) offsets(%dma_start3A_100 : memref<125xi32, #tpu.memory_space<vmem>>) semaphore(%arg12 : memref<!tpu.dma_semaphore, #tpu.memory_space<semaphore_mem>>)
      } else {
      }
      %add3A_74 = arith.constant 1 : i32
      %add3A_75 = arith.addi %mul3A_44, %add3A_74 : i32
      %dma_wait3A_76 = arith.constant 0 : i32
      %dma_wait3A_77 = tpu.memref_slice %arg7[%add3A_75, %dma_wait3A_76] : memref<40x125xi32, #tpu.memory_space<vmem>> -> memref<1x125xi32, #tpu.memory_space<vmem>>
      %dma_wait3A_78 = tpu.memref_squeeze %dma_wait3A_77 : memref<1x125xi32, #tpu.memory_space<vmem>> -> memref<125xi32, #tpu.memory_space<vmem>>
      %dma_wait3A_79 = arith.constant 0 : i32
      %dma_wait3A_80 = arith.constant 0 : i32
      %dma_wait3A_81 = tpu.memref_slice %arg2[%dma_wait3A_79, %dma_wait3A_80] : memref<10000x128xf32, #tpu.memory_space<hbm>> -> memref<10000x128xf32, #tpu.memory_space<hbm>>
      tpu.wait_indirect_dma semaphore(%arg13 : memref<!tpu.dma_semaphore, #tpu.memory_space<semaphore_mem>>) src(%dma_wait3A_81 : memref<10000x128xf32, #tpu.memory_space<hbm>>) dst(%arg10 : memref<125x128xf32, #tpu.memory_space<vmem>>)
      %add3A_82 = arith.constant 1 : i32
      %add3A_83 = arith.addi %mul3A_44, %add3A_82 : i32
      %dma_start3A_84 = arith.constant 0 : i32
      %dma_start3A_85 = tpu.memref_slice %arg8[%add3A_83, %dma_start3A_84] : memref<40x125xi32, #tpu.memory_space<vmem>> -> memref<1x125xi32, #tpu.memory_space<vmem>>
      %dma_start3A_86 = tpu.memref_squeeze %dma_start3A_85 : memref<1x125xi32, #tpu.memory_space<vmem>> -> memref<125xi32, #tpu.memory_space<vmem>>
      %dma_start3A_87 = arith.constant 0 : i32
      %dma_start3A_88 = arith.constant 0 : i32
      %dma_start3A_89 = tpu.memref_slice %arg11[%dma_start3A_87, %dma_start3A_88] : memref<10240x128xf32, #tpu.memory_space<vmem_shared>> -> memref<10240x128xf32, #tpu.memory_space<vmem_shared>>
      tpu.enqueue_indirect_dma source(%arg10 : memref<125x128xf32, #tpu.memory_space<vmem>>) target(%dma_start3A_89 : memref<10240x128xf32, #tpu.memory_space<vmem_shared>>) offsets(%dma_start3A_86 : memref<125xi32, #tpu.memory_space<vmem>>) semaphore(%arg15 : memref<!tpu.dma_semaphore, #tpu.memory_space<semaphore_mem>>) {add = true}
      %dma_wait3A_90 = arith.constant 0 : i32
      %dma_wait3A_91 = tpu.memref_slice %arg8[%add3A_83, %dma_wait3A_90] : memref<40x125xi32, #tpu.memory_space<vmem>> -> memref<1x125xi32, #tpu.memory_space<vmem>>
      %dma_wait3A_92 = tpu.memref_squeeze %dma_wait3A_91 : memref<1x125xi32, #tpu.memory_space<vmem>> -> memref<125xi32, #tpu.memory_space<vmem>>
      %dma_wait3A_93 = arith.constant 0 : i32
      %dma_wait3A_94 = arith.constant 0 : i32
      %dma_wait3A_95 = tpu.memref_slice %arg11[%dma_wait3A_93, %dma_wait3A_94] : memref<10240x128xf32, #tpu.memory_space<vmem_shared>> -> memref<10240x128xf32, #tpu.memory_space<vmem_shared>>
      tpu.wait_indirect_dma semaphore(%arg15 : memref<!tpu.dma_semaphore, #tpu.memory_space<semaphore_mem>>) src(%arg10 : memref<125x128xf32, #tpu.memory_space<vmem>>) dst(%dma_wait3A_95 : memref<10240x128xf32, #tpu.memory_space<vmem_shared>>)
    }
    %scan3A_21 = arith.constant 20 : i32
    %run_scoped3A_22 = arith.constant 1 : i32
    "tpu.region"() ({
      %run_scoped3A_42 = tpu.sem_alloc : memref<!tpu.dma_semaphore, #tpu.memory_space<semaphore_mem>>
      %dma_start3A_43 = arith.constant 0 : i32
      %dma_start3A_44 = arith.constant 0 : i32
      %dma_start3A_45 = tpu.memref_slice %arg3[%arg0, %arg1, %run_scoped3A_22, %dma_start3A_43, %dma_start3A_44] : memref<2x16x2x40x125xi32, #tpu.memory_space<hbm>> -> memref<1x1x1x40x125xi32, #tpu.memory_space<hbm>>
      %dma_start3A_46 = tpu.memref_squeeze %dma_start3A_45 : memref<1x1x1x40x125xi32, #tpu.memory_space<hbm>> -> memref<40x125xi32, #tpu.memory_space<hbm>>
      %dma_start3A_47 = arith.constant 0 : i32
      %dma_start3A_48 = arith.constant 0 : i32
      %dma_start3A_49 = tpu.memref_slice %arg3[%arg0, %arg1, %run_scoped3A_22, %dma_start3A_47, %dma_start3A_48] : memref<2x16x2x40x125xi32, #tpu.memory_space<hbm>> -> memref<1x1x1x40x125xi32, #tpu.memory_space<hbm>>
      %dma_start3A_50 = tpu.memref_squeeze %dma_start3A_49 : memref<1x1x1x40x125xi32, #tpu.memory_space<hbm>> -> memref<40x125xi32, #tpu.memory_space<hbm>>
      tpu.enqueue_dma source(%dma_start3A_50 : memref<40x125xi32, #tpu.memory_space<hbm>>) target(%arg7 : memref<40x125xi32, #tpu.memory_space<vmem>>) target_semaphore(%run_scoped3A_42 : memref<!tpu.dma_semaphore, #tpu.memory_space<semaphore_mem>>)
      %dma_wait3A_51 = arith.constant 0 : i32
      %dma_wait3A_52 = arith.constant 0 : i32
      %dma_wait3A_53 = tpu.memref_slice %arg3[%arg0, %arg1, %run_scoped3A_22, %dma_wait3A_51, %dma_wait3A_52] : memref<2x16x2x40x125xi32, #tpu.memory_space<hbm>> -> memref<1x1x1x40x125xi32, #tpu.memory_space<hbm>>
      %dma_wait3A_54 = tpu.memref_squeeze %dma_wait3A_53 : memref<1x1x1x40x125xi32, #tpu.memory_space<hbm>> -> memref<40x125xi32, #tpu.memory_space<hbm>>
      %dma_wait3A_55 = arith.constant 0 : i32
      %dma_wait3A_56 = arith.constant 0 : i32
      %dma_wait3A_57 = tpu.memref_slice %arg3[%arg0, %arg1, %run_scoped3A_22, %dma_wait3A_55, %dma_wait3A_56] : memref<2x16x2x40x125xi32, #tpu.memory_space<hbm>> -> memref<1x1x1x40x125xi32, #tpu.memory_space<hbm>>
      %dma_wait3A_58 = tpu.memref_squeeze %dma_wait3A_57 : memref<1x1x1x40x125xi32, #tpu.memory_space<hbm>> -> memref<40x125xi32, #tpu.memory_space<hbm>>
      tpu.wait_dma2 semaphore(%run_scoped3A_42 : memref<!tpu.dma_semaphore, #tpu.memory_space<semaphore_mem>>) src(%dma_wait3A_58 : memref<40x125xi32, #tpu.memory_space<hbm>>) dst(%arg7 : memref<40x125xi32, #tpu.memory_space<vmem>>)
      tpu.yield
    }) : () -> ()
    %run_scoped3A_23 = arith.constant 1 : i32
    "tpu.region"() ({
      %run_scoped3A_42 = tpu.sem_alloc : memref<!tpu.dma_semaphore, #tpu.memory_space<semaphore_mem>>
      %dma_start3A_43 = arith.constant 0 : i32
      %dma_start3A_44 = arith.constant 0 : i32
      %dma_start3A_45 = tpu.memref_slice %arg4[%arg0, %arg1, %run_scoped3A_23, %dma_start3A_43, %dma_start3A_44] : memref<2x16x2x40x125xi32, #tpu.memory_space<hbm>> -> memref<1x1x1x40x125xi32, #tpu.memory_space<hbm>>
      %dma_start3A_46 = tpu.memref_squeeze %dma_start3A_45 : memref<1x1x1x40x125xi32, #tpu.memory_space<hbm>> -> memref<40x125xi32, #tpu.memory_space<hbm>>
      %dma_start3A_47 = arith.constant 0 : i32
      %dma_start3A_48 = arith.constant 0 : i32
      %dma_start3A_49 = tpu.memref_slice %arg4[%arg0, %arg1, %run_scoped3A_23, %dma_start3A_47, %dma_start3A_48] : memref<2x16x2x40x125xi32, #tpu.memory_space<hbm>> -> memref<1x1x1x40x125xi32, #tpu.memory_space<hbm>>
      %dma_start3A_50 = tpu.memref_squeeze %dma_start3A_49 : memref<1x1x1x40x125xi32, #tpu.memory_space<hbm>> -> memref<40x125xi32, #tpu.memory_space<hbm>>
      tpu.enqueue_dma source(%dma_start3A_50 : memref<40x125xi32, #tpu.memory_space<hbm>>) target(%arg8 : memref<40x125xi32, #tpu.memory_space<vmem>>) target_semaphore(%run_scoped3A_42 : memref<!tpu.dma_semaphore, #tpu.memory_space<semaphore_mem>>)
      %dma_wait3A_51 = arith.constant 0 : i32
      %dma_wait3A_52 = arith.constant 0 : i32
      %dma_wait3A_53 = tpu.memref_slice %arg4[%arg0, %arg1, %run_scoped3A_23, %dma_wait3A_51, %dma_wait3A_52] : memref<2x16x2x40x125xi32, #tpu.memory_space<hbm>> -> memref<1x1x1x40x125xi32, #tpu.memory_space<hbm>>
      %dma_wait3A_54 = tpu.memref_squeeze %dma_wait3A_53 : memref<1x1x1x40x125xi32, #tpu.memory_space<hbm>> -> memref<40x125xi32, #tpu.memory_space<hbm>>
      %dma_wait3A_55 = arith.constant 0 : i32
      %dma_wait3A_56 = arith.constant 0 : i32
      %dma_wait3A_57 = tpu.memref_slice %arg4[%arg0, %arg1, %run_scoped3A_23, %dma_wait3A_55, %dma_wait3A_56] : memref<2x16x2x40x125xi32, #tpu.memory_space<hbm>> -> memref<1x1x1x40x125xi32, #tpu.memory_space<hbm>>
      %dma_wait3A_58 = tpu.memref_squeeze %dma_wait3A_57 : memref<1x1x1x40x125xi32, #tpu.memory_space<hbm>> -> memref<40x125xi32, #tpu.memory_space<hbm>>
      tpu.wait_dma2 semaphore(%run_scoped3A_42 : memref<!tpu.dma_semaphore, #tpu.memory_space<semaphore_mem>>) src(%dma_wait3A_58 : memref<40x125xi32, #tpu.memory_space<hbm>>) dst(%arg8 : memref<40x125xi32, #tpu.memory_space<vmem>>)
      tpu.yield
    }) : () -> ()
    %dma_start3A_24 = arith.constant 0 : i32
    %dma_start3A_25 = arith.constant 0 : i32
    %dma_start3A_26 = tpu.memref_slice %arg7[%dma_start3A_24, %dma_start3A_25] : memref<40x125xi32, #tpu.memory_space<vmem>> -> memref<1x125xi32, #tpu.memory_space<vmem>>
    %dma_start3A_27 = tpu.memref_squeeze %dma_start3A_26 : memref<1x125xi32, #tpu.memory_space<vmem>> -> memref<125xi32, #tpu.memory_space<vmem>>
    %dma_start3A_28 = arith.constant 0 : i32
    %dma_start3A_29 = arith.constant 0 : i32
    %dma_start3A_30 = tpu.memref_slice %arg2[%dma_start3A_28, %dma_start3A_29] : memref<10000x128xf32, #tpu.memory_space<hbm>> -> memref<10000x128xf32, #tpu.memory_space<hbm>>
    tpu.enqueue_indirect_dma source(%dma_start3A_30 : memref<10000x128xf32, #tpu.memory_space<hbm>>) target(%arg9 : memref<125x128xf32, #tpu.memory_space<vmem>>) offsets(%dma_start3A_27 : memref<125xi32, #tpu.memory_space<vmem>>) semaphore(%arg12 : memref<!tpu.dma_semaphore, #tpu.memory_space<semaphore_mem>>)
    %scan3A_31 = arith.constant 0 : i32
    %scan3A_32 = arith.constant 0 : i32
    %scan3A_33 = arith.constant 20 : i32
    %scan3A_34 = arith.addi %scan3A_32, %scan3A_33 : i32
    %scan3A_35 = arith.constant 1 : i32
    scf.for %scan3A_42 = %scan3A_32 to %scan3A_34 step %scan3A_35  : i32 {
      %mul3A_43 = arith.constant 2 : i32
      %mul3A_44 = arith.muli %mul3A_43, %scan3A_42 : i32
      %add3A = arith.constant 1 : i32
      %add3A_45 = arith.addi %mul3A_44, %add3A : i32
      %dma_start3A_46 = arith.constant 0 : i32
      %dma_start3A_47 = tpu.memref_slice %arg7[%add3A_45, %dma_start3A_46] : memref<40x125xi32, #tpu.memory_space<vmem>> -> memref<1x125xi32, #tpu.memory_space<vmem>>
      %dma_start3A_48 = tpu.memref_squeeze %dma_start3A_47 : memref<1x125xi32, #tpu.memory_space<vmem>> -> memref<125xi32, #tpu.memory_space<vmem>>
      %dma_start3A_49 = arith.constant 0 : i32
      %dma_start3A_50 = arith.constant 0 : i32
      %dma_start3A_51 = tpu.memref_slice %arg2[%dma_start3A_49, %dma_start3A_50] : memref<10000x128xf32, #tpu.memory_space<hbm>> -> memref<10000x128xf32, #tpu.memory_space<hbm>>
      tpu.enqueue_indirect_dma source(%dma_start3A_51 : memref<10000x128xf32, #tpu.memory_space<hbm>>) target(%arg10 : memref<125x128xf32, #tpu.memory_space<vmem>>) offsets(%dma_start3A_48 : memref<125xi32, #tpu.memory_space<vmem>>) semaphore(%arg13 : memref<!tpu.dma_semaphore, #tpu.memory_space<semaphore_mem>>)
      %dma_wait3A_52 = arith.constant 0 : i32
      %dma_wait3A_53 = tpu.memref_slice %arg7[%mul3A_44, %dma_wait3A_52] : memref<40x125xi32, #tpu.memory_space<vmem>> -> memref<1x125xi32, #tpu.memory_space<vmem>>
      %dma_wait3A_54 = tpu.memref_squeeze %dma_wait3A_53 : memref<1x125xi32, #tpu.memory_space<vmem>> -> memref<125xi32, #tpu.memory_space<vmem>>
      %dma_wait3A_55 = arith.constant 0 : i32
      %dma_wait3A_56 = arith.constant 0 : i32
      %dma_wait3A_57 = tpu.memref_slice %arg2[%dma_wait3A_55, %dma_wait3A_56] : memref<10000x128xf32, #tpu.memory_space<hbm>> -> memref<10000x128xf32, #tpu.memory_space<hbm>>
      tpu.wait_indirect_dma semaphore(%arg12 : memref<!tpu.dma_semaphore, #tpu.memory_space<semaphore_mem>>) src(%dma_wait3A_57 : memref<10000x128xf32, #tpu.memory_space<hbm>>) dst(%arg9 : memref<125x128xf32, #tpu.memory_space<vmem>>)
      %dma_start3A_58 = arith.constant 0 : i32
      %dma_start3A_59 = tpu.memref_slice %arg8[%mul3A_44, %dma_start3A_58] : memref<40x125xi32, #tpu.memory_space<vmem>> -> memref<1x125xi32, #tpu.memory_space<vmem>>
      %dma_start3A_60 = tpu.memref_squeeze %dma_start3A_59 : memref<1x125xi32, #tpu.memory_space<vmem>> -> memref<125xi32, #tpu.memory_space<vmem>>
      %dma_start3A_61 = arith.constant 0 : i32
      %dma_start3A_62 = arith.constant 0 : i32
      %dma_start3A_63 = tpu.memref_slice %arg11[%dma_start3A_61, %dma_start3A_62] : memref<10240x128xf32, #tpu.memory_space<vmem_shared>> -> memref<10240x128xf32, #tpu.memory_space<vmem_shared>>
      tpu.enqueue_indirect_dma source(%arg9 : memref<125x128xf32, #tpu.memory_space<vmem>>) target(%dma_start3A_63 : memref<10240x128xf32, #tpu.memory_space<vmem_shared>>) offsets(%dma_start3A_60 : memref<125xi32, #tpu.memory_space<vmem>>) semaphore(%arg14 : memref<!tpu.dma_semaphore, #tpu.memory_space<semaphore_mem>>) {add = true}
      %dma_wait3A_64 = arith.constant 0 : i32
      %dma_wait3A_65 = tpu.memref_slice %arg8[%mul3A_44, %dma_wait3A_64] : memref<40x125xi32, #tpu.memory_space<vmem>> -> memref<1x125xi32, #tpu.memory_space<vmem>>
      %dma_wait3A_66 = tpu.memref_squeeze %dma_wait3A_65 : memref<1x125xi32, #tpu.memory_space<vmem>> -> memref<125xi32, #tpu.memory_space<vmem>>
      %dma_wait3A_67 = arith.constant 0 : i32
      %dma_wait3A_68 = arith.constant 0 : i32
      %dma_wait3A_69 = tpu.memref_slice %arg11[%dma_wait3A_67, %dma_wait3A_68] : memref<10240x128xf32, #tpu.memory_space<vmem_shared>> -> memref<10240x128xf32, #tpu.memory_space<vmem_shared>>
      tpu.wait_indirect_dma semaphore(%arg14 : memref<!tpu.dma_semaphore, #tpu.memory_space<semaphore_mem>>) src(%arg9 : memref<125x128xf32, #tpu.memory_space<vmem>>) dst(%dma_wait3A_69 : memref<10240x128xf32, #tpu.memory_space<vmem_shared>>)
      %add3A_70 = arith.constant 2 : i32
      %add3A_71 = arith.addi %mul3A_44, %add3A_70 : i32
      %lt3A = arith.constant 40 : i32
      %lt3A_72 = arith.cmpi slt, %add3A_71, %lt3A : i32
      %convert_element_type3A = arith.extui %lt3A_72 : i1 to i32
      %cond3A = arith.constant 0 : i32
      %cond3A_73 = arith.cmpi ne, %convert_element_type3A, %cond3A : i32
      scf.if %cond3A_73 {
        %add3A_96 = arith.constant 2 : i32
        %add3A_97 = arith.addi %mul3A_44, %add3A_96 : i32
        %dma_start3A_98 = arith.constant 0 : i32
        %dma_start3A_99 = tpu.memref_slice %arg7[%add3A_97, %dma_start3A_98] : memref<40x125xi32, #tpu.memory_space<vmem>> -> memref<1x125xi32, #tpu.memory_space<vmem>>
        %dma_start3A_100 = tpu.memref_squeeze %dma_start3A_99 : memref<1x125xi32, #tpu.memory_space<vmem>> -> memref<125xi32, #tpu.memory_space<vmem>>
        %dma_start3A_101 = arith.constant 0 : i32
        %dma_start3A_102 = arith.constant 0 : i32
        %dma_start3A_103 = tpu.memref_slice %arg2[%dma_start3A_101, %dma_start3A_102] : memref<10000x128xf32, #tpu.memory_space<hbm>> -> memref<10000x128xf32, #tpu.memory_space<hbm>>
        tpu.enqueue_indirect_dma source(%dma_start3A_103 : memref<10000x128xf32, #tpu.memory_space<hbm>>) target(%arg9 : memref<125x128xf32, #tpu.memory_space<vmem>>) offsets(%dma_start3A_100 : memref<125xi32, #tpu.memory_space<vmem>>) semaphore(%arg12 : memref<!tpu.dma_semaphore, #tpu.memory_space<semaphore_mem>>)
      } else {
      }
      %add3A_74 = arith.constant 1 : i32
      %add3A_75 = arith.addi %mul3A_44, %add3A_74 : i32
      %dma_wait3A_76 = arith.constant 0 : i32
      %dma_wait3A_77 = tpu.memref_slice %arg7[%add3A_75, %dma_wait3A_76] : memref<40x125xi32, #tpu.memory_space<vmem>> -> memref<1x125xi32, #tpu.memory_space<vmem>>
      %dma_wait3A_78 = tpu.memref_squeeze %dma_wait3A_77 : memref<1x125xi32, #tpu.memory_space<vmem>> -> memref<125xi32, #tpu.memory_space<vmem>>
      %dma_wait3A_79 = arith.constant 0 : i32
      %dma_wait3A_80 = arith.constant 0 : i32
      %dma_wait3A_81 = tpu.memref_slice %arg2[%dma_wait3A_79, %dma_wait3A_80] : memref<10000x128xf32, #tpu.memory_space<hbm>> -> memref<10000x128xf32, #tpu.memory_space<hbm>>
      tpu.wait_indirect_dma semaphore(%arg13 : memref<!tpu.dma_semaphore, #tpu.memory_space<semaphore_mem>>) src(%dma_wait3A_81 : memref<10000x128xf32, #tpu.memory_space<hbm>>) dst(%arg10 : memref<125x128xf32, #tpu.memory_space<vmem>>)
      %add3A_82 = arith.constant 1 : i32
      %add3A_83 = arith.addi %mul3A_44, %add3A_82 : i32
      %dma_start3A_84 = arith.constant 0 : i32
      %dma_start3A_85 = tpu.memref_slice %arg8[%add3A_83, %dma_start3A_84] : memref<40x125xi32, #tpu.memory_space<vmem>> -> memref<1x125xi32, #tpu.memory_space<vmem>>
      %dma_start3A_86 = tpu.memref_squeeze %dma_start3A_85 : memref<1x125xi32, #tpu.memory_space<vmem>> -> memref<125xi32, #tpu.memory_space<vmem>>
      %dma_start3A_87 = arith.constant 0 : i32
      %dma_start3A_88 = arith.constant 0 : i32
      %dma_start3A_89 = tpu.memref_slice %arg11[%dma_start3A_87, %dma_start3A_88] : memref<10240x128xf32, #tpu.memory_space<vmem_shared>> -> memref<10240x128xf32, #tpu.memory_space<vmem_shared>>
      tpu.enqueue_indirect_dma source(%arg10 : memref<125x128xf32, #tpu.memory_space<vmem>>) target(%dma_start3A_89 : memref<10240x128xf32, #tpu.memory_space<vmem_shared>>) offsets(%dma_start3A_86 : memref<125xi32, #tpu.memory_space<vmem>>) semaphore(%arg15 : memref<!tpu.dma_semaphore, #tpu.memory_space<semaphore_mem>>) {add = true}
      %dma_wait3A_90 = arith.constant 0 : i32
      %dma_wait3A_91 = tpu.memref_slice %arg8[%add3A_83, %dma_wait3A_90] : memref<40x125xi32, #tpu.memory_space<vmem>> -> memref<1x125xi32, #tpu.memory_space<vmem>>
      %dma_wait3A_92 = tpu.memref_squeeze %dma_wait3A_91 : memref<1x125xi32, #tpu.memory_space<vmem>> -> memref<125xi32, #tpu.memory_space<vmem>>
      %dma_wait3A_93 = arith.constant 0 : i32
      %dma_wait3A_94 = arith.constant 0 : i32
      %dma_wait3A_95 = tpu.memref_slice %arg11[%dma_wait3A_93, %dma_wait3A_94] : memref<10240x128xf32, #tpu.memory_space<vmem_shared>> -> memref<10240x128xf32, #tpu.memory_space<vmem_shared>>
      tpu.wait_indirect_dma semaphore(%arg15 : memref<!tpu.dma_semaphore, #tpu.memory_space<semaphore_mem>>) src(%arg10 : memref<125x128xf32, #tpu.memory_space<vmem>>) dst(%dma_wait3A_95 : memref<10240x128xf32, #tpu.memory_space<vmem_shared>>)
    }
    %scan3A_36 = arith.constant 20 : i32
    %barrier3A_37 = arith.constant 0 : index
    tpu.barrier barrier_id(%barrier3A_37)
    %mul3A_38 = arith.constant 640 : i32
    %mul3A_39 = arith.muli %arg1, %mul3A_38 : i32
    %mul3A_40 = arith.constant 640 : i32
    %mul3A_41 = arith.muli %arg1, %mul3A_40 : i32
    "tpu.region"() ({
      %run_scoped3A_42 = tpu.sem_alloc : memref<!tpu.dma_semaphore, #tpu.memory_space<semaphore_mem>>
      %dma_start3A_43 = arith.constant 0 : i32
      %dma_start3A_44 = tpu.memref_slice %arg6[%arg0, %mul3A_41, %dma_start3A_43] : memref<2x10240x128xf32, #tpu.memory_space<hbm>> -> memref<1x640x128xf32, #tpu.memory_space<hbm>>
      %dma_start3A_45 = tpu.memref_squeeze %dma_start3A_44 : memref<1x640x128xf32, #tpu.memory_space<hbm>> -> memref<640x128xf32, #tpu.memory_space<hbm>>
      %dma_start3A_46 = arith.constant 0 : i32
      %dma_start3A_47 = tpu.memref_slice %arg11[%mul3A_39, %dma_start3A_46] : memref<10240x128xf32, #tpu.memory_space<vmem_shared>> -> memref<640x128xf32, #tpu.memory_space<vmem_shared>>
      tpu.enqueue_dma source(%dma_start3A_47 : memref<640x128xf32, #tpu.memory_space<vmem_shared>>) target(%dma_start3A_45 : memref<640x128xf32, #tpu.memory_space<hbm>>) target_semaphore(%run_scoped3A_42 : memref<!tpu.dma_semaphore, #tpu.memory_space<semaphore_mem>>)
      %dma_wait3A_48 = arith.constant 0 : i32
      %dma_wait3A_49 = tpu.memref_slice %arg6[%arg0, %mul3A_41, %dma_wait3A_48] : memref<2x10240x128xf32, #tpu.memory_space<hbm>> -> memref<1x640x128xf32, #tpu.memory_space<hbm>>
      %dma_wait3A_50 = tpu.memref_squeeze %dma_wait3A_49 : memref<1x640x128xf32, #tpu.memory_space<hbm>> -> memref<640x128xf32, #tpu.memory_space<hbm>>
      %dma_wait3A_51 = arith.constant 0 : i32
      %dma_wait3A_52 = tpu.memref_slice %arg11[%mul3A_39, %dma_wait3A_51] : memref<10240x128xf32, #tpu.memory_space<vmem_shared>> -> memref<640x128xf32, #tpu.memory_space<vmem_shared>>
      tpu.wait_dma2 semaphore(%run_scoped3A_42 : memref<!tpu.dma_semaphore, #tpu.memory_space<semaphore_mem>>) src(%dma_wait3A_52 : memref<640x128xf32, #tpu.memory_space<vmem_shared>>) dst(%dma_wait3A_50 : memref<640x128xf32, #tpu.memory_space<hbm>>)
      tpu.yield
    }) : () -> ()
    return
  }
}

module attributes {stable_mosaic.version = 14 : i64} {
  func.func @_stage_a_body(%arg0: i32, %arg1: memref<1280x128xf32, #tpu.memory_space<vmem>>, %arg2: memref<128x128xf32, #tpu.memory_space<vmem>>, %arg3: memref<1x128xf32, #tpu.memory_space<vmem>>, %arg4: memref<2x10240xf32, #tpu.memory_space<vmem>>, %arg5: memref<1280x128xf32, #tpu.memory_space<vmem>>, %arg6: memref<1280x128xf32, #tpu.memory_space<vmem>>) attributes {dimension_semantics = [#tpu.dimension_semantics<arbitrary>], iteration_bounds = array<i64: 8>, scalar_prefetch = 0 : i64, scratch_operands = 0 : i64, tpu.core_type = #tpu.core_type<tc>, window_params = [{transform_indices = @transform_0, window_bounds = array<i64: 1280, 128>}, {pipeline_mode = #tpu.pipeline_mode<synchronous>, transform_indices = @transform_1, window_bounds = array<i64: 128, 128>}, {pipeline_mode = #tpu.pipeline_mode<synchronous>, transform_indices = @transform_2, window_bounds = array<i64: 1, 128>}, {pipeline_mode = #tpu.pipeline_mode<synchronous>, transform_indices = @transform_3, window_bounds = array<i64: 2, 10240>}, {transform_indices = @transform_4, window_bounds = array<i64: 1280, 128>}, {transform_indices = @transform_5, window_bounds = array<i64: 1280, 128>}]} {
    %get3A = arith.constant 0 : index
    %get3A_0 = arith.constant 0 : index
    %get3A_1 = vector.load %arg1[%get3A, %get3A_0] : memref<1280x128xf32, #tpu.memory_space<vmem>>, vector<1280x128xf32>
    %get3A_2 = arith.constant 0 : index
    %get3A_3 = arith.constant 0 : index
    %get3A_4 = vector.load %arg2[%get3A_2, %get3A_3] : memref<128x128xf32, #tpu.memory_space<vmem>>, vector<128x128xf32>
    %dot_general3A = arith.constant dense<0.000000e+00> : vector<1280x128xf32>
    %dot_general3A_5 = tpu.matmul %get3A_1, %get3A_4, %dot_general3A {dimension_numbers = #tpu.dot_dimension_numbers<[1], [0], [0], [1], [0, 0, 1, 1], [], []>, transpose_lhs_hint = false} : vector<1280x128xf32>, vector<128x128xf32>, vector<1280x128xf32> -> vector<1280x128xf32>
    %get3A_6 = arith.constant 0 : index
    %get3A_7 = arith.constant 0 : index
    %get3A_8 = vector.load %arg3[%get3A_6, %get3A_7] : memref<1x128xf32, #tpu.memory_space<vmem>>, vector<1x128xf32>
    %add3A = vector.broadcast %get3A_8 : vector<1x128xf32> to vector<1280x128xf32>
    %add3A_9 = arith.addf %dot_general3A_5, %add3A : vector<1280x128xf32>
    %mul3A = arith.constant 1280 : i32
    %mul3A_10 = arith.muli %arg0, %mul3A : i32
    %get3A_11 = arith.constant 0 : index
    %get3A_12 = arith.index_cast %mul3A_10 : i32 to index
    %get3A_13 = vector.load %arg4[%get3A_11, %get3A_12] : memref<2x10240xf32, #tpu.memory_space<vmem>>, vector<1x1280xf32>
    %get3A_14 = vector.shape_cast %get3A_13 : vector<1x1280xf32> to vector<1280xf32>
    %add3A_15 = arith.constant 1.000000e+00 : f32
    %add3A_16 = vector.broadcast %add3A_15 : f32 to vector<1280xf32>
    %add3A_17 = arith.addf %add3A_16, %get3A_14 : vector<1280xf32>
    %mul3A_18 = arith.constant 1280 : i32
    %mul3A_19 = arith.muli %arg0, %mul3A_18 : i32
    %get3A_20 = arith.constant 1 : index
    %get3A_21 = arith.index_cast %mul3A_19 : i32 to index
    %get3A_22 = vector.load %arg4[%get3A_20, %get3A_21] : memref<2x10240xf32, #tpu.memory_space<vmem>>, vector<1x1280xf32>
    %get3A_23 = vector.shape_cast %get3A_22 : vector<1x1280xf32> to vector<1280xf32>
    %add3A_24 = arith.addf %add3A_17, %get3A_23 : vector<1280xf32>
    %rsqrt3A = math.rsqrt %add3A_24 : vector<1280xf32>
    %swap3A = arith.constant 0 : index
    %swap3A_25 = arith.constant 0 : index
    %swap3A_26 = vector.load %arg5[%swap3A, %swap3A_25] : memref<1280x128xf32, #tpu.memory_space<vmem>>, vector<1280x128xf32>
    tpu.vector_store %arg5[%swap3A, %swap3A_25], %add3A_9 {strides = array<i32>} : memref<1280x128xf32, #tpu.memory_space<vmem>>, vector<1280x128xf32>,
    %broadcast_in_dim3A = vector.shape_cast %rsqrt3A : vector<1280xf32> to vector<1280x1xf32>
    %mul3A_27 = vector.broadcast %broadcast_in_dim3A : vector<1280x1xf32> to vector<1280x128xf32>
    %mul3A_28 = arith.mulf %add3A_9, %mul3A_27 : vector<1280x128xf32>
    %swap3A_29 = arith.constant 0 : index
    %swap3A_30 = arith.constant 0 : index
    %swap3A_31 = vector.load %arg6[%swap3A_29, %swap3A_30] : memref<1280x128xf32, #tpu.memory_space<vmem>>, vector<1280x128xf32>
    tpu.vector_store %arg6[%swap3A_29, %swap3A_30], %mul3A_28 {strides = array<i32>} : memref<1280x128xf32, #tpu.memory_space<vmem>>, vector<1280x128xf32>,
    return
  }
  func.func @transform_0(%arg0: i32) -> (i32, i32) {
    %c0_i32 = arith.constant 0 : i32
    %c0_i32_0 = arith.constant 0 : i32
    return %arg0, %c0_i32 : i32, i32
  }
  func.func @transform_1(%arg0: i32) -> (i32, i32) {
    %c0_i32 = arith.constant 0 : i32
    %c0_i32_0 = arith.constant 0 : i32
    %c0_i32_1 = arith.constant 0 : i32
    return %c0_i32, %c0_i32_0 : i32, i32
  }
  func.func @transform_2(%arg0: i32) -> (i32, i32) {
    %c0_i32 = arith.constant 0 : i32
    %c0_i32_0 = arith.constant 0 : i32
    %c0_i32_1 = arith.constant 0 : i32
    return %c0_i32, %c0_i32_0 : i32, i32
  }
  func.func @transform_3(%arg0: i32) -> (i32, i32) {
    %c0_i32 = arith.constant 0 : i32
    %c0_i32_0 = arith.constant 0 : i32
    %c0_i32_1 = arith.constant 0 : i32
    return %c0_i32, %c0_i32_0 : i32, i32
  }
  func.func @transform_4(%arg0: i32) -> (i32, i32) {
    %c0_i32 = arith.constant 0 : i32
    %c0_i32_0 = arith.constant 0 : i32
    return %arg0, %c0_i32 : i32, i32
  }
  func.func @transform_5(%arg0: i32) -> (i32, i32) {
    %c0_i32 = arith.constant 0 : i32
    %c0_i32_0 = arith.constant 0 : i32
    return %arg0, %c0_i32 : i32, i32
  }
}

module attributes {stable_mosaic.version = 14 : i64} {
  func.func @_stage_b_body(%arg0: i32, %arg1: memref<2x1280x128xf32, #tpu.memory_space<vmem>>, %arg2: memref<1280x128xf32, #tpu.memory_space<vmem>>, %arg3: memref<1280x128xf32, #tpu.memory_space<vmem>>, %arg4: memref<2x10240xf32, #tpu.memory_space<vmem>>, %arg5: memref<128x128xf32, #tpu.memory_space<vmem>>, %arg6: memref<1280x128xf32, #tpu.memory_space<vmem>>, %arg7: memref<1280x128xf32, #tpu.memory_space<vmem>>) attributes {dimension_semantics = [#tpu.dimension_semantics<arbitrary>], iteration_bounds = array<i64: 8>, scalar_prefetch = 0 : i64, scratch_operands = 0 : i64, tpu.core_type = #tpu.core_type<tc>, window_params = [{transform_indices = @transform_0, window_bounds = array<i64: 2, 1280, 128>}, {transform_indices = @transform_1, window_bounds = array<i64: 1280, 128>}, {transform_indices = @transform_2, window_bounds = array<i64: 1280, 128>}, {pipeline_mode = #tpu.pipeline_mode<synchronous>, transform_indices = @transform_3, window_bounds = array<i64: 2, 10240>}, {pipeline_mode = #tpu.pipeline_mode<synchronous>, transform_indices = @transform_4, window_bounds = array<i64: 128, 128>}, {transform_indices = @transform_5, window_bounds = array<i64: 1280, 128>}, {transform_indices = @transform_6, window_bounds = array<i64: 1280, 128>}]} {
    %mul3A = arith.constant 1280 : i32
    %mul3A_0 = arith.muli %arg0, %mul3A : i32
    %get3A = arith.constant 0 : index
    %get3A_1 = arith.index_cast %mul3A_0 : i32 to index
    %get3A_2 = vector.load %arg4[%get3A, %get3A_1] : memref<2x10240xf32, #tpu.memory_space<vmem>>, vector<1x1280xf32>
    %get3A_3 = vector.shape_cast %get3A_2 : vector<1x1280xf32> to vector<1280xf32>
    %add3A = arith.constant 1.000000e+00 : f32
    %add3A_4 = vector.broadcast %add3A : f32 to vector<1280xf32>
    %add3A_5 = arith.addf %add3A_4, %get3A_3 : vector<1280xf32>
    %mul3A_6 = arith.constant 1280 : i32
    %mul3A_7 = arith.muli %arg0, %mul3A_6 : i32
    %get3A_8 = arith.constant 1 : index
    %get3A_9 = arith.index_cast %mul3A_7 : i32 to index
    %get3A_10 = vector.load %arg4[%get3A_8, %get3A_9] : memref<2x10240xf32, #tpu.memory_space<vmem>>, vector<1x1280xf32>
    %get3A_11 = vector.shape_cast %get3A_10 : vector<1x1280xf32> to vector<1280xf32>
    %add3A_12 = arith.addf %add3A_5, %get3A_11 : vector<1280xf32>
    %rsqrt3A = math.rsqrt %add3A_12 : vector<1280xf32>
    %get3A_13 = arith.constant 0 : index
    %get3A_14 = arith.constant 0 : index
    %get3A_15 = arith.constant 0 : index
    %get3A_16 = vector.load %arg1[%get3A_13, %get3A_14, %get3A_15] : memref<2x1280x128xf32, #tpu.memory_space<vmem>>, vector<1x1280x128xf32>
    %get3A_17 = vector.shape_cast %get3A_16 : vector<1x1280x128xf32> to vector<1280x128xf32>
    %get3A_18 = arith.constant 1 : index
    %get3A_19 = arith.constant 0 : index
    %get3A_20 = arith.constant 0 : index
    %get3A_21 = vector.load %arg1[%get3A_18, %get3A_19, %get3A_20] : memref<2x1280x128xf32, #tpu.memory_space<vmem>>, vector<1x1280x128xf32>
    %get3A_22 = vector.shape_cast %get3A_21 : vector<1x1280x128xf32> to vector<1280x128xf32>
    %add3A_23 = arith.addf %get3A_17, %get3A_22 : vector<1280x128xf32>
    %get3A_24 = arith.constant 0 : index
    %get3A_25 = arith.constant 0 : index
    %get3A_26 = vector.load %arg3[%get3A_24, %get3A_25] : memref<1280x128xf32, #tpu.memory_space<vmem>>, vector<1280x128xf32>
    %add3A_27 = arith.addf %add3A_23, %get3A_26 : vector<1280x128xf32>
    %broadcast_in_dim3A = vector.shape_cast %rsqrt3A : vector<1280xf32> to vector<1280x1xf32>
    %mul3A_28 = vector.broadcast %broadcast_in_dim3A : vector<1280x1xf32> to vector<1280x128xf32>
    %mul3A_29 = arith.mulf %add3A_27, %mul3A_28 : vector<1280x128xf32>
    %mul3A_30 = arith.constant 0.899999976 : f32
    %mul3A_31 = vector.broadcast %mul3A_30 : f32 to vector<1280x128xf32>
    %mul3A_32 = arith.mulf %mul3A_31, %mul3A_29 : vector<1280x128xf32>
    %get3A_33 = arith.constant 0 : index
    %get3A_34 = arith.constant 0 : index
    %get3A_35 = vector.load %arg2[%get3A_33, %get3A_34] : memref<1280x128xf32, #tpu.memory_space<vmem>>, vector<1280x128xf32>
    %mul3A_36 = arith.constant 1.000000e-01 : f32
    %mul3A_37 = vector.broadcast %mul3A_36 : f32 to vector<1280x128xf32>
    %mul3A_38 = arith.mulf %mul3A_37, %get3A_35 : vector<1280x128xf32>
    %add3A_39 = arith.addf %mul3A_32, %mul3A_38 : vector<1280x128xf32>
    %get3A_40 = arith.constant 0 : index
    %get3A_41 = arith.constant 0 : index
    %get3A_42 = vector.load %arg5[%get3A_40, %get3A_41] : memref<128x128xf32, #tpu.memory_space<vmem>>, vector<128x128xf32>
    %dot_general3A = arith.constant dense<0.000000e+00> : vector<1280x128xf32>
    %dot_general3A_43 = tpu.matmul %add3A_39, %get3A_42, %dot_general3A {dimension_numbers = #tpu.dot_dimension_numbers<[1], [0], [0], [1], [0, 0, 1, 1], [], []>, transpose_lhs_hint = false} : vector<1280x128xf32>, vector<128x128xf32>, vector<1280x128xf32> -> vector<1280x128xf32>
    %mul3A_44 = arith.constant 0.405465096 : f32
    %mul3A_45 = vector.broadcast %mul3A_44 : f32 to vector<1280x128xf32>
    %mul3A_46 = arith.mulf %mul3A_45, %dot_general3A_43 : vector<1280x128xf32>
    %mul3A_47 = arith.constant 0.594534874 : f32
    %mul3A_48 = vector.broadcast %mul3A_47 : f32 to vector<1280x128xf32>
    %mul3A_49 = arith.mulf %mul3A_48, %add3A_39 : vector<1280x128xf32>
    %add3A_50 = arith.addf %mul3A_46, %mul3A_49 : vector<1280x128xf32>
    %max3A = arith.constant 0.000000e+00 : f32
    %max3A_51 = vector.broadcast %max3A : f32 to vector<1280x128xf32>
    %max3A_52 = arith.maximumf %add3A_50, %max3A_51 : vector<1280x128xf32>
    %swap3A = arith.constant 0 : index
    %swap3A_53 = arith.constant 0 : index
    %swap3A_54 = vector.load %arg6[%swap3A, %swap3A_53] : memref<1280x128xf32, #tpu.memory_space<vmem>>, vector<1280x128xf32>
    tpu.vector_store %arg6[%swap3A, %swap3A_53], %max3A_52 {strides = array<i32>} : memref<1280x128xf32, #tpu.memory_space<vmem>>, vector<1280x128xf32>,
    %broadcast_in_dim3A_55 = vector.shape_cast %rsqrt3A : vector<1280xf32> to vector<1280x1xf32>
    %mul3A_56 = vector.broadcast %broadcast_in_dim3A_55 : vector<1280x1xf32> to vector<1280x128xf32>
    %mul3A_57 = arith.mulf %max3A_52, %mul3A_56 : vector<1280x128xf32>
    %swap3A_58 = arith.constant 0 : index
    %swap3A_59 = arith.constant 0 : index
    %swap3A_60 = vector.load %arg7[%swap3A_58, %swap3A_59] : memref<1280x128xf32, #tpu.memory_space<vmem>>, vector<1280x128xf32>
    tpu.vector_store %arg7[%swap3A_58, %swap3A_59], %mul3A_57 {strides = array<i32>} : memref<1280x128xf32, #tpu.memory_space<vmem>>, vector<1280x128xf32>,
    return
  }
  func.func @transform_0(%arg0: i32) -> (i32, i32, i32) {
    %c0_i32 = arith.constant 0 : i32
    %c0_i32_0 = arith.constant 0 : i32
    %c0_i32_1 = arith.constant 0 : i32
    return %c0_i32, %arg0, %c0_i32_0 : i32, i32, i32
  }
  func.func @transform_1(%arg0: i32) -> (i32, i32) {
    %c0_i32 = arith.constant 0 : i32
    %c0_i32_0 = arith.constant 0 : i32
    return %arg0, %c0_i32 : i32, i32
  }
  func.func @transform_2(%arg0: i32) -> (i32, i32) {
    %c0_i32 = arith.constant 0 : i32
    %c0_i32_0 = arith.constant 0 : i32
    return %arg0, %c0_i32 : i32, i32
  }
  func.func @transform_3(%arg0: i32) -> (i32, i32) {
    %c0_i32 = arith.constant 0 : i32
    %c0_i32_0 = arith.constant 0 : i32
    %c0_i32_1 = arith.constant 0 : i32
    return %c0_i32, %c0_i32_0 : i32, i32
  }
  func.func @transform_4(%arg0: i32) -> (i32, i32) {
    %c0_i32 = arith.constant 0 : i32
    %c0_i32_0 = arith.constant 0 : i32
    %c0_i32_1 = arith.constant 0 : i32
    return %c0_i32, %c0_i32_0 : i32, i32
  }
  func.func @transform_5(%arg0: i32) -> (i32, i32) {
    %c0_i32 = arith.constant 0 : i32
    %c0_i32_0 = arith.constant 0 : i32
    return %arg0, %c0_i32 : i32, i32
  }
  func.func @transform_6(%arg0: i32) -> (i32, i32) {
    %c0_i32 = arith.constant 0 : i32
    %c0_i32_0 = arith.constant 0 : i32
    return %arg0, %c0_i32 : i32, i32
  }
}

module attributes {stable_mosaic.version = 14 : i64} {
  func.func @_stage_c_body(%arg0: i32, %arg1: memref<2x1280x128xf32, #tpu.memory_space<vmem>>, %arg2: memref<1280x128xf32, #tpu.memory_space<vmem>>, %arg3: memref<1280x128xf32, #tpu.memory_space<vmem>>, %arg4: memref<2x10240xf32, #tpu.memory_space<vmem>>, %arg5: memref<128x128xf32, #tpu.memory_space<vmem>>, %arg6: memref<1280x128xf32, #tpu.memory_space<vmem>>) attributes {dimension_semantics = [#tpu.dimension_semantics<arbitrary>], iteration_bounds = array<i64: 8>, scalar_prefetch = 0 : i64, scratch_operands = 0 : i64, tpu.core_type = #tpu.core_type<tc>, window_params = [{transform_indices = @transform_0, window_bounds = array<i64: 2, 1280, 128>}, {transform_indices = @transform_1, window_bounds = array<i64: 1280, 128>}, {transform_indices = @transform_2, window_bounds = array<i64: 1280, 128>}, {pipeline_mode = #tpu.pipeline_mode<synchronous>, transform_indices = @transform_3, window_bounds = array<i64: 2, 10240>}, {pipeline_mode = #tpu.pipeline_mode<synchronous>, transform_indices = @transform_4, window_bounds = array<i64: 128, 128>}, {transform_indices = @transform_5, window_bounds = array<i64: 1280, 128>}]} {
    %mul3A = arith.constant 1280 : i32
    %mul3A_0 = arith.muli %arg0, %mul3A : i32
    %get3A = arith.constant 0 : index
    %get3A_1 = arith.index_cast %mul3A_0 : i32 to index
    %get3A_2 = vector.load %arg4[%get3A, %get3A_1] : memref<2x10240xf32, #tpu.memory_space<vmem>>, vector<1x1280xf32>
    %get3A_3 = vector.shape_cast %get3A_2 : vector<1x1280xf32> to vector<1280xf32>
    %add3A = arith.constant 1.000000e+00 : f32
    %add3A_4 = vector.broadcast %add3A : f32 to vector<1280xf32>
    %add3A_5 = arith.addf %add3A_4, %get3A_3 : vector<1280xf32>
    %mul3A_6 = arith.constant 1280 : i32
    %mul3A_7 = arith.muli %arg0, %mul3A_6 : i32
    %get3A_8 = arith.constant 1 : index
    %get3A_9 = arith.index_cast %mul3A_7 : i32 to index
    %get3A_10 = vector.load %arg4[%get3A_8, %get3A_9] : memref<2x10240xf32, #tpu.memory_space<vmem>>, vector<1x1280xf32>
    %get3A_11 = vector.shape_cast %get3A_10 : vector<1x1280xf32> to vector<1280xf32>
    %add3A_12 = arith.addf %add3A_5, %get3A_11 : vector<1280xf32>
    %rsqrt3A = math.rsqrt %add3A_12 : vector<1280xf32>
    %get3A_13 = arith.constant 0 : index
    %get3A_14 = arith.constant 0 : index
    %get3A_15 = arith.constant 0 : index
    %get3A_16 = vector.load %arg1[%get3A_13, %get3A_14, %get3A_15] : memref<2x1280x128xf32, #tpu.memory_space<vmem>>, vector<1x1280x128xf32>
    %get3A_17 = vector.shape_cast %get3A_16 : vector<1x1280x128xf32> to vector<1280x128xf32>
    %get3A_18 = arith.constant 1 : index
    %get3A_19 = arith.constant 0 : index
    %get3A_20 = arith.constant 0 : index
    %get3A_21 = vector.load %arg1[%get3A_18, %get3A_19, %get3A_20] : memref<2x1280x128xf32, #tpu.memory_space<vmem>>, vector<1x1280x128xf32>
    %get3A_22 = vector.shape_cast %get3A_21 : vector<1x1280x128xf32> to vector<1280x128xf32>
    %add3A_23 = arith.addf %get3A_17, %get3A_22 : vector<1280x128xf32>
    %get3A_24 = arith.constant 0 : index
    %get3A_25 = arith.constant 0 : index
    %get3A_26 = vector.load %arg3[%get3A_24, %get3A_25] : memref<1280x128xf32, #tpu.memory_space<vmem>>, vector<1280x128xf32>
    %add3A_27 = arith.addf %add3A_23, %get3A_26 : vector<1280x128xf32>
    %broadcast_in_dim3A = vector.shape_cast %rsqrt3A : vector<1280xf32> to vector<1280x1xf32>
    %mul3A_28 = vector.broadcast %broadcast_in_dim3A : vector<1280x1xf32> to vector<1280x128xf32>
    %mul3A_29 = arith.mulf %add3A_27, %mul3A_28 : vector<1280x128xf32>
    %mul3A_30 = arith.constant 0.899999976 : f32
    %mul3A_31 = vector.broadcast %mul3A_30 : f32 to vector<1280x128xf32>
    %mul3A_32 = arith.mulf %mul3A_31, %mul3A_29 : vector<1280x128xf32>
    %get3A_33 = arith.constant 0 : index
    %get3A_34 = arith.constant 0 : index
    %get3A_35 = vector.load %arg2[%get3A_33, %get3A_34] : memref<1280x128xf32, #tpu.memory_space<vmem>>, vector<1280x128xf32>
    %mul3A_36 = arith.constant 1.000000e-01 : f32
    %mul3A_37 = vector.broadcast %mul3A_36 : f32 to vector<1280x128xf32>
    %mul3A_38 = arith.mulf %mul3A_37, %get3A_35 : vector<1280x128xf32>
    %add3A_39 = arith.addf %mul3A_32, %mul3A_38 : vector<1280x128xf32>
    %get3A_40 = arith.constant 0 : index
    %get3A_41 = arith.constant 0 : index
    %get3A_42 = vector.load %arg5[%get3A_40, %get3A_41] : memref<128x128xf32, #tpu.memory_space<vmem>>, vector<128x128xf32>
    %dot_general3A = arith.constant dense<0.000000e+00> : vector<1280x128xf32>
    %dot_general3A_43 = tpu.matmul %add3A_39, %get3A_42, %dot_general3A {dimension_numbers = #tpu.dot_dimension_numbers<[1], [0], [0], [1], [0, 0, 1, 1], [], []>, transpose_lhs_hint = false} : vector<1280x128xf32>, vector<128x128xf32>, vector<1280x128xf32> -> vector<1280x128xf32>
    %mul3A_44 = arith.constant 0.223143548 : f32
    %mul3A_45 = vector.broadcast %mul3A_44 : f32 to vector<1280x128xf32>
    %mul3A_46 = arith.mulf %mul3A_45, %dot_general3A_43 : vector<1280x128xf32>
    %mul3A_47 = arith.constant 0.776856422 : f32
    %mul3A_48 = vector.broadcast %mul3A_47 : f32 to vector<1280x128xf32>
    %mul3A_49 = arith.mulf %mul3A_48, %add3A_39 : vector<1280x128xf32>
    %add3A_50 = arith.addf %mul3A_46, %mul3A_49 : vector<1280x128xf32>
    %swap3A = arith.constant 0 : index
    %swap3A_51 = arith.constant 0 : index
    %swap3A_52 = vector.load %arg6[%swap3A, %swap3A_51] : memref<1280x128xf32, #tpu.memory_space<vmem>>, vector<1280x128xf32>
    tpu.vector_store %arg6[%swap3A, %swap3A_51], %add3A_50 {strides = array<i32>} : memref<1280x128xf32, #tpu.memory_space<vmem>>, vector<1280x128xf32>,
    return
  }
  func.func @transform_0(%arg0: i32) -> (i32, i32, i32) {
    %c0_i32 = arith.constant 0 : i32
    %c0_i32_0 = arith.constant 0 : i32
    %c0_i32_1 = arith.constant 0 : i32
    return %c0_i32, %arg0, %c0_i32_0 : i32, i32, i32
  }
  func.func @transform_1(%arg0: i32) -> (i32, i32) {
    %c0_i32 = arith.constant 0 : i32
    %c0_i32_0 = arith.constant 0 : i32
    return %arg0, %c0_i32 : i32, i32
  }
  func.func @transform_2(%arg0: i32) -> (i32, i32) {
    %c0_i32 = arith.constant 0 : i32
    %c0_i32_0 = arith.constant 0 : i32
    return %arg0, %c0_i32 : i32, i32
  }
  func.func @transform_3(%arg0: i32) -> (i32, i32) {
    %c0_i32 = arith.constant 0 : i32
    %c0_i32_0 = arith.constant 0 : i32
    %c0_i32_1 = arith.constant 0 : i32
    return %c0_i32, %c0_i32_0 : i32, i32
  }
  func.func @transform_4(%arg0: i32) -> (i32, i32) {
    %c0_i32 = arith.constant 0 : i32
    %c0_i32_0 = arith.constant 0 : i32
    %c0_i32_1 = arith.constant 0 : i32
    return %c0_i32, %c0_i32_0 : i32, i32
  }
  func.func @transform_5(%arg0: i32) -> (i32, i32) {
    %c0_i32 = arith.constant 0 : i32
    %c0_i32_0 = arith.constant 0 : i32
    return %arg0, %c0_i32 : i32, i32
  }
}

</mosaic_0001>

<sc_bundles>
// kernel: kernel.11.cloned.1.call-start
scs
__scs_entry_jumppad:
0x0: {  	(pc) =	sbr.rel $0x88, $3  }
0x1: {  	(tag) =	ssettag $0x0;
	lr =	simm.s32 $0x1  }
0x2: {  	[smem:$0x3F9B] =	sst lr;
	_ =	strace $0xD0000000  }
0x3: {  	_ = 	snop  }
0x4: {  	_ = 	snop  }
0x5: {  	_ = 	snop  }
0x6: {  	_ = 	snop  }
0x7: {  	_ = 	snop  }
__scs_overlays_trampoline_lowered:
0x8: {  	[smem:$0x3FAA] =	sst s0  }
0x9: {  	[smem:$0x3FAB] =	sst s1  }
0xa: {  	[smem:$0x3FAC] =	sst s2  }
0xb: {  	[smem:$0x3FAD] =	sst s3  }
0xc: {  	[smem:$0x3FAE] =	sst s4  }
0xd: {  	[smem:$0x3FAF] =	sst s5  }
0xe: {  	[smem:$0x3FB0] =	sst s6  }
0xf: {  	[smem:$0x3FB1] =	sst s7  }
0x10: {  	[smem:$0x3FB2] =	sst s8  }
0x11: {  	[smem:$0x3FB3] =	sst s9;
	s0 =	simm.s32 @!p0 $0x0  }
0x12: {  	s1 =	sld [smem:$0x3F99];
	s0 =	simm.s32 @p0 $0x1  }
0x13: {  	[smem:$0x3FB4] =	sst s0;
	s0 =	simm.s32 @!p1 $0x0  }
0x14: {  	s2 =	sld [smem:$0x3F98];
	s0 =	simm.s32 @p1 $0x1  }
0x15: {  	[smem:$0x3FB5] =	sst s0;
	s0 =	simm.s32 @!p2 $0x0  }
0x16: {  	s3 =	sld [smem:$0x3FDB];
	s0 =	simm.s32 @p2 $0x1  }
0x17: {  	s4 =	simm.s32 $0x1BF5;
	[smem:$0x3FB7] =	sst s0  }
0x18: {  	s0 =	sld [smem:$0x3F9A];
	_ =	swait.ge [sflag:s4], $0x0  }
0x19: {  	s7 =	sld [smem:$0x3F9B]  }
0x1a: {  	s8 =	sadd.s32 $0xFFFFE003, lr  }
0x1b: {  	s9 =	sadd.s32 $0xFFFFFEF7, lr;
	s5 =	simm.s32 $0xFFFFFFFF;
	p2 =	slt.u32 s8, $0xFFFFF086  }
0x1c: {  	p1 =	slt.u32 s9, $0xF7A;
	s5 =	simm.s32 @!p2 $0x0  }
0x1d: {  	s5 =	simm.s32 @p1 $0x1;
	p0 =	seq.s32 s7, s2  }
0x1e: {  	s7 =	smul.u32 @!p0 $0xF7A, s2;
	p2 =	seq.s32 @!p0 s5, $0x0  }
0x1f: {  	s9 =	smul.u32 $0xF7A, s1;
	s8 =	simm.s32 @!p0 $0x1BF5;
	p2 =	por !p2, p0  }
0x20: {  	[sflag:s8] =	ssyncset.s32 @!p0 $0xFFFFF086;
	s6 =	sadd.s32 @!p0 s3, s7;
	s7 =	simm.s32 @!p0 $0x108  }
0x21: {  	s3 =	sadd.s32 s3, s9;
	s6 =	sadd.s32 @!p0 $0x88, s6;
	s7 =	simm.s32 @p2 $0x1082  }
0x22: {  	[simem:s7], [sflag:s8] =	dma.local @!p0 [hbm:s6], $0xF7A  }
0x23: {  	s9 =	sor.u32 $0xD0000000, s2;
	s6 =	simm.s32 $0x108;
	_ =	swait.ge @!p0 [sflag:s8], $0x0  }
0x24: {  	s3 =	sadd.s32 $0x88, s3;
	s6 =	simm.s32 @!p1 $0x1082;
	[sflag:s4] =	ssyncset.s32 $0xFFFFF086  }
0x25: {  	[simem:s6], [sflag:s4] =	dma.local [hbm:s3], $0xF7A  }
0x26: {  	[smem:$0x3F9B] =	sst s1;
	(tag) =	ssettag s2;
	_ =	strace s9  }
0x27: {  	s1 =	sld [smem:$0x3FAB]  }
0x28: {  	s2 =	sld [smem:$0x3FAC]  }
0x29: {  	s4 =	sld [smem:$0x3FAE]  }
0x2a: {  	p0 =	seq.s32 s5, $0x0;
	s5 =	sld [smem:$0x3FAF]  }
0x2b: {  	s6 =	sld [smem:$0x3FB0]  }
0x2c: {  	s7 =	sld [smem:$0x3FB1]  }
0x2d: {  	s3 =	simm.s32 $0x108;
	s8 =	sld [smem:$0x3FB2]  }
0x2e: {  	s3 =	simm.s32 @!p0 $0x1082;
	s9 =	sld [smem:$0x3FB3]  }
0x2f: {  	lr =	sadd.s32 s0, s3;
	s0 =	sld [smem:$0x3FAA]  }
0x30: {  	s3 =	sld [smem:$0x3FAD]  }
0x31: {  	[smem:$0x3FB6] =	sst s10  }
0x32: {  	s10 =	sld [smem:$0x3FB4];
	_ =	sdelay $0x3  }
0x33: {  	p0 =	seq.s32 s10, $0x1;
	s10 =	sld [smem:$0x3FB6];
	_ =	sdelay $0x3  }
0x34: {  	[smem:$0x3FB6] =	sst s10  }
0x35: {  	s10 =	sld [smem:$0x3FB5];
	_ =	sdelay $0x3  }
0x36: {  	p1 =	seq.s32 s10, $0x1;
	s10 =	sld [smem:$0x3FB6];
	_ =	sdelay $0x3  }
0x37: {  	[smem:$0x3FB6] =	sst s10  }
0x38: {  	s10 =	sld [smem:$0x3FB7]  }
0x39: {  	_ = 	snop;
	(pc) =	sbr.ind lr, $3  }
0x3a: {  	_ = 	snop  }
0x3b: {  	_ = 	snop  }
0x3c: {  	p2 =	seq.s32 s10, $0x1;
	s10 =	sld [smem:$0x3FB6]  }
0x3d: {  	_ =	shalt  }
0x3e: {  	_ =	shalt  }
0x3f: {  	_ =	shalt  }
0x40: {  	_ =	shalt  }
0x41: {  	_ =	shalt  }
0x42: {  	_ =	shalt  }
0x43: {  	_ =	shalt  }
0x44: {  	_ =	shalt  }
0x45: {  	_ =	shalt  }
0x46: {  	_ =	shalt  }
0x47: {  	_ =	shalt  }
0x48: {  	_ =	shalt  }
0x49: {  	_ =	shalt  }
0x4a: {  	_ =	shalt  }
0x4b: {  	_ =	shalt  }
0x4c: {  	_ =	shalt  }
0x4d: {  	_ =	shalt  }
0x4e: {  	_ =	shalt  }
0x4f: {  	_ =	shalt  }
0x50: {  	_ =	shalt  }
0x51: {  	_ =	shalt  }
0x52: {  	_ =	shalt  }
0x53: {  	_ =	shalt  }
0x54: {  	_ =	shalt  }
0x55: {  	_ =	shalt  }
0x56: {  	_ =	shalt  }
0x57: {  	_ =	shalt  }
0x58: {  	_ =	shalt  }
0x59: {  	_ =	shalt  }
0x5a: {  	_ =	shalt  }
0x5b: {  	_ =	shalt  }
0x5c: {  	_ =	shalt  }
0x5d: {  	_ =	shalt  }
0x5e: {  	_ =	shalt  }
0x5f: {  	_ =	shalt  }
0x60: {  	_ =	shalt  }
0x61: {  	_ =	shalt  }
0x62: {  	_ =	shalt  }
0x63: {  	_ =	shalt  }
0x64: {  	_ =	shalt  }
0x65: {  	_ =	shalt  }
0x66: {  	_ =	shalt  }
0x67: {  	_ =	shalt  }
0x68: {  	_ =	shalt  }
0x69: {  	_ =	shalt  }
0x6a: {  	_ =	shalt  }
0x6b: {  	_ =	shalt  }
0x6c: {  	_ =	shalt  }
0x6d: {  	_ =	shalt  }
0x6e: {  	_ =	shalt  }
0x6f: {  	_ =	shalt  }
0x70: {  	_ =	shalt  }
0x71: {  	_ =	shalt  }
0x72: {  	_ =	shalt  }
0x73: {  	_ =	shalt  }
0x74: {  	_ =	shalt  }
0x75: {  	_ =	shalt  }
0x76: {  	_ =	shalt  }
0x77: {  	_ =	shalt  }
0x78: {  	_ =	shalt  }
0x79: {  	_ =	shalt  }
0x7a: {  	_ =	shalt  }
0x7b: {  	_ =	shalt  }
0x7c: {  	_ =	shalt  }
0x7d: {  	_ =	shalt  }
0x7e: {  	_ =	shalt  }
0x7f: {  	_ =	shalt  }
0x80: {  	_ =	shalt  }
0x81: {  	_ =	shalt  }
0x82: {  	_ =	shalt  }
0x83: {  	_ =	shalt  }
0x84: {  	_ =	shalt  }
0x85: {  	_ =	shalt  }
0x86: {  	_ =	shalt  }
0x87: {  	_ =	shalt  }
.Lfunc_end0:
.L_simem_size_0:
called_computation.1_lowered:
.L_overlay_start_0:
0x88: {  	s2 =	sld [smem:$0x3FD9]  }
0x89: {  	s3 =	sld [smem:$0x3FFE];
	_ =	sdelay $0x1  }
0x8a: {  	s1 =	srdreg.scid  }
0x8b: {  	s0 =	sand.u32 $0x1, s1  }
0x8c: {  	s17 =	sshll.u32 s0, $0xA;
	s2 =	sadd.s32 s3, s2  }
0x8d: {  	s2 =	sadd.s32 s2, s17  }
0x8e: {  	[smem:$0x3FC2] =	sst s2  }
0x8f: {  	_ = 	snop  }
0x90: {  	s2 =	sld [smem:$0x3FD0];
	(tm) =	ssettm $0x1  }
0x91: {  	s18 =	sld [smem:$0x3FFB];
	_ =	sdelay $0x3  }
0x92: {  	_ =	strace s18  }
0x93: {  	s3 =	sld [smem:$0x3FFC];
	_ =	sdelay $0x3  }
0x94: {  	_ =	strace s3  }
0x95: {  	s3 =	sld [smem:$0x3FFD];
	_ =	sdelay $0x3  }
0x96: {  	_ =	strace s3  }
0x97: {  	_ =	strace $0x8FFFFFFF  }
0x98: {  	s19 =	sld [smem:$0x3FDB];
	_ =	sdelay $0x1  }
0x99: {  	s4 =	simm.s32 $_scs_section_size  }
0x9a: {  	s5 =	simm.s32 $_size__tile_overlayer_lowered;
	s6 =	simm.s32 $_tile_overlayer_lowered  }
0x9b: {  	s22 =	simm.s32 $0x1BFF;
	s21 =	sshll.u32 s6, $0x1;
	s3 =	sadd.s32 s4, s19  }
0x9c: {  	s7 =	simm.s32 $0x0;
	s20 =	sshll.u32 s5, $0x1;
	s5 =	sadd.s32 s21, s3  }
0x9d: {  	[timem:s7], [sflag:s22] =	dma.local [hbm:s5], s20  }
0x9e: {  	_ =	swait.ge [sflag:s22], s20  }
0x9f: {  	s4 =	ssub.s32 $0x0, s20;
	[sflag:s22] =	ssyncset.done $0x0  }
0xa0: {  	[sflag:s22] =	ssyncadd.s32 s4;
	_ =	sdelay $0x1  }
0xa1: {  	s23 =	simm.s32 $0x1B8B  }
0xa2: {  	_ =	swait.ge [sflag:s23], $0x1  }
0xa3: {  	[sflag:s23] =	ssyncset.done $0x0  }
0xa4: {  	s25 =	simm.s32 $0x1B8E;
	s24 =	sld [smem:$0x3FFE];
	[sflag:s23] =	ssyncadd.s32 $0xFFFFFFFF  }
0xa5: {  	s26 =	simm.s32 $execute0_lowered;
	[smem:$0x3FD2] =	sst s25  }
0xa6: {  	s5 =	sshll.u32 s26, $0x1;
	_ =	strace $0x80000049;
	[dreg:$0x1] =	wrdreg $0xFFFFFFFF  }
0xa7: {  	s28 =	simm.s32 $_size_execute0_lowered;
	s3 =	sadd.s32 s3, s5;
	[dreg:$0x0] =	wrdreg $0x0  }
0xa8: {  	s5 =	sshll.u32 s28, $0x1;
	[dreg:$0x2] =	wrdreg s3  }
0xa9: {  	[dreg:$0x3] =	wrdreg s5  }
0xaa: {  	[dreg:$0x4] =	wrdreg $0xC0  }
0xab: {  	_ =	task [dreg:s7], $0x5FFFF  }
0xac: {  	[dreg:$0x1] =	wrdreg $0xFFFFFFFF  }
0xad: {  	[dreg:$0x0] =	wrdreg $0x60  }
0xae: {  	[dreg:$0x2] =	wrdreg s2  }
0xaf: {  	[dreg:$0x3] =	wrdreg s24  }
0xb0: {  	[dreg:$0x4] =	wrdreg $0xA8000  }
0xb1: {  	[dreg:$0x5] =	wrdreg $0x9  }
0xb2: {  	_ =	task.clear_ibuf [dreg:s7], $0x6FFFF;
	_ =	strace $0x90000049  }
0xb3: {  	s29 =	simm.s32 $0x9;
	_ =	strace $0x8000004B  }
0xb4: {  	_ =	swait.ge [sflag:s29], $0x1  }
0xb5: {  	[sflag:s29] =	ssyncadd.s32 $0xFFFFFFFF  }
0xb6: {  	_ =	strace $0x9000004B  }
0xb7: {  	_ =	sfence  }
0xb8: {  	s30 =	sld [smem:$0x0];
	_ =	sdelay $0x2  }
0xb9: {  	s31 =	sshll.u32 s1, $0xD;
	s1 =	sshrl.u32 s1, $0x2  }
0xba: {  	s3 =	sand.u32 $0x4000, s31;
	s1 =	sadd.s32 s1, s30  }
0xbb: {  	s0 =	sor.u32 s3, s0;
	s1 =	sshll.u32 s1, $0x11  }
0xbc: {  	s0 =	sor.u32 s1, s0  }
0xbd: {  	s0 =	sadd.s32 $0x8F2B, s0  }
0xbe: {  	[sflag:s0] =	ssyncadd.remote.s32 $0x1  }
0xbf: {  	_ =	sfence.sel $0xFFFF  }
0xc0: {  	[dreg:$0x0] =	wrdreg $0xFFFFFFFF;
	(pc) =	sbr.abs _section_cstart, $3  }
0xc1: {  	[dreg:$0x1] =	wrdreg $0xFFFFFFFF  }
0xc2: {  	_ =	task.clear_ibuf [dreg:s7], $0x2FFFF;
	_ =	strace $0x9FFFFFFF  }
0xc3: {  	(tm) =	ssettm $0x7FFFFFFF  }
tec
execute0_lowered:
.L_overlay_start_1:
0x0: {  	(tag) =	ssettag $0x1  }
0x1: {  	s1 =	rddreg [dreg:$0x0]  }
0x2: {  	s5 =	rddreg [dreg:$0x1]  }
0x3: {  	s3 =	rddreg [dreg:$0x2];
	s4 =	simm.s32 $0x0  }
0x4: {  	s0 =	stileid.u32;
	s7 =	srdreg.scid;
	s17 =	simm.s32 $0x7D  }
0x5: {  	s18 =	simm.s32 $0x2800;
	s19 =	simm.s32 $0x3;
	s20 =	simm.s32 $0x6800  }
0x6: {  	s21 =	simm.s32 $0x1;
	s22 =	simm.s32 $0x2;
	s23 =	simm.s32 $0x4  }
0x7: {  	s24 =	simm.s32 $0x1380;
	s25 =	simm.s32 $0x2700;
	s6 =	smul.u32 $0x14000, s0  }
0x8: {  	s28 =	simm.s32 $0x0;
	[smem:$0x7FF] =	sst s4;
	s12 =	smul.u32 $0x50000, s0  }
0x9: {  	s7 =	sand.u32 $0x1, s7;
	s10 =	sadd.s32 $0xD200, s5;
	s14 =	smul.u32 $0x2800, s0  }
0xa: {  	s11 =	sadd.s32 $0x3200, s5;
	_ =	strace $0x8000004A;
	s9 =	smul.u32 $0x140000, s7  }
0xb: {  	s26 =	ssub.s32 $0x2, s7;
	s7 =	smul.u32 $0x28000, s7;
	s8 =	sshrl.u32 s6, $0x3  }
0xc: {  	s13 =	sshrl.u32 s26, $0x1;
	s29 =	sshrl.u32 s12, $0x2;
	s8 =	sadd.s32 s8, s5  }
0xd: {  	s6 =	sadd.s32 s6, s9;
	s13 =	ssub.s32 s26, s13;
	s16 =	sadd.s32 s29, s3  }
0xe: {  	s30 =	sadd.s32 s14, s7;
	s26 =	simm.s32 $0x2780;
	s6 =	sshrl.u32 s6, $0x3  }
0xf: {  	s31 =	sshrl.u32 s30, $0x3;
	s13 =	smax.u32 s13, $0x1;
	s14 =	sshrl.u32 s16, $0x3  }
0x10: {  	s16 =	simm.s32 $0x1400;
	s15 =	sadd.s32 s6, s5;
	s5 =	sshll.u32 s0, $0x6  }
0x11: {  	s6 =	sadd.s32 $0x17200, s8;
	s8 =	sadd.s32 s10, s31;
	s12 =	sadd.s32 $0x280, s31  }
0x12: {  	s9 =	sadd.s32 s11, s31;
	s7 =	sor.u32 $0x1C03, s5;
	s10 =	sadd.s32 s10, s12  }
0x13: {  	s11 =	sadd.s32 s11, s12;
	s12 =	sadd.s32 $0x3F200, s15;
	s15 =	simm.s32 $0x5  }
.LBB2_1:
0x14: {  	[spmem:s14], [sflag:s7] =	dma.local [hbm:s6], $0x2800  }
0x15: {  	[tilespmem:s4], [sflag:$0x5] =	stream.linear.gather [hbm4b:s8+s4], $0x1400, $0x38;
	[tilespmem:$0x1E800] =	vst v63  }
0x16: {  	_ =	swait.ge [sflag:s15], $0x1400  }
0x17: {  	[sflag:s15] =	ssyncset.done $0x0  }
0x18: {  	[sflag:s15] =	ssyncadd.s32 $0xFFFFEC00  }
0x19: {  	[tilespmem:s16], [sflag:$0x5] =	stream.linear.gather [hbm4b:s9+s4], $0x1400, $0x38;
	[tilespmem:$0x1E800] =	vst v63  }
0x1a: {  	_ =	swait.ge [sflag:s15], $0x1400  }
0x1b: {  	[sflag:s15] =	ssyncset.done $0x0  }
0x1c: {  	[sflag:s15] =	ssyncadd.s32 $0xFFFFEC00  }
0x1d: {  	[tilespmem:s18], [sflag:$0x1] =	stream.indirect.gather [hbm4b:s1+s17], $0x80, s4, s17, $0xb8;
	[tilespmem:$0x1E800] =	vst v63  }
0x1e: {  	_ =	swait.ge [sflag:s19], $0x2800  }
0x1f: {  	[sflag:s19] =	ssyncset.done $0x0  }
0x20: {  	[sflag:s19] =	ssyncadd.s32 $0xFFFFD800  }
0x21: {  	s29 =	simm.s32 $0x80;
	[bflag:$0x0] =	sbarrier.arrive $0xFFFF  }
0x22: {  	[tilespmem:s20], [sflag:$0x2] =	stream.indirect.gather [hbm4b:s1+s17], $0x80, s29, s17, $0xb8;
	[tilespmem:$0x1E800] =	vst v63  }
0x23: {  	_ =	swait.ge [sflag:s21], $0x3E80  }
0x24: {  	[sflag:s21] =	ssyncset.done $0x0  }
0x25: {  	s29 =	simm.s32 $0x1400;
	[sflag:s21] =	ssyncadd.s32 $0xFFFFC180  }
0x26: {  	[spmem:s3] =	stream.indirect.scatter.add.f32 [tilespmem:s18], [sflag:$0x3], $0x80, s29, s17, $0xb8;
	[tilespmem:$0x1E800] =	vst v63  }
0x27: {  	_ =	swait.ge [sflag:s19], $0x3E80  }
0x28: {  	[sflag:s19] =	ssyncset.done $0x0  }
0x29: {  	s29 =	simm.s32 $0x100;
	[sflag:s19] =	ssyncadd.s32 $0xFFFFC180  }
0x2a: {  	[tilespmem:s18], [sflag:$0x1] =	stream.indirect.gather [hbm4b:s1+s17], $0x80, s29, s17, $0xb8;
	[tilespmem:$0x1E800] =	vst v63  }
0x2b: {  	_ =	swait.ge [sflag:s22], $0x3E80  }
0x2c: {  	[sflag:s22] =	ssyncset.done $0x0  }
0x2d: {  	s29 =	simm.s32 $0x1480;
	[sflag:s22] =	ssyncadd.s32 $0xFFFFC180  }
0x2e: {  	[spmem:s3] =	stream.indirect.scatter.add.f32 [tilespmem:s20], [sflag:$0x4], $0x80, s29, s17, $0xb8;
	[tilespmem:$0x1E800] =	vst v63  }
0x2f: {  	_ =	swait.ge [sflag:s23], $0x3E80  }
0x30: {  	s30 =	simm.s32 $0x800;
	s29 =	simm.s32 $0x100;
	[sflag:s23] =	ssyncset.done $0x0  }
.LBB2_2:
0x31: {  	s31 =	sadd.s32 $0x80, s29  }
0x32: {  	[sflag:s23] =	ssyncadd.s32 $0xFFFFC180;
	s0 =	smov.u32 s30;
	s2 =	sadd.s32 $0x400, s30  }
0x33: {  	[tilespmem:s20], [sflag:$0x2] =	stream.indirect.gather [hbm4b:s1+s17], $0x80, s31, s17, $0xb8;
	[tilespmem:$0x1E800] =	vst v63  }
0x34: {  	p0 =	sne.s32 s30, $0x4800;
	_ =	swait.ge [sflag:s21], $0x3E80  }
0x35: {  	[sflag:s21] =	ssyncset.done $0x0  }
0x36: {  	s30 =	sadd.s32 $0x1400, s29;
	[sflag:s21] =	ssyncadd.s32 $0xFFFFC180  }
0x37: {  	[spmem:s3] =	stream.indirect.scatter.add.f32 [tilespmem:s18], [sflag:$0x3], $0x80, s30, s17, $0xb8;
	[tilespmem:$0x1E800] =	vst v63  }
0x38: {  	_ =	swait.ge [sflag:s19], $0x3E80  }
0x39: {  	[sflag:s19] =	ssyncset.done $0x0  }
0x3a: {  	s30 =	sadd.s32 $0x100, s29;
	[sflag:s19] =	ssyncadd.s32 $0xFFFFC180  }
0x3b: {  	[tilespmem:s18], [sflag:$0x1] =	stream.indirect.gather [hbm4b:s1+s17], $0x80, s30, s17, $0xb8;
	[tilespmem:$0x1E800] =	vst v63  }
0x3c: {  	_ =	swait.ge [sflag:s22], $0x3E80  }
.Ltmp0:
0x3d: {  	[sflag:s22] =	ssyncset.done $0x0;
	(pc) =	sbr.rel @p0 .LBB2_2-.Ltmp0, $4  }
0x3e: {  	s29 =	sadd.s32 $0x1480, s29;
	[sflag:s22] =	ssyncadd.s32 $0xFFFFC180  }
0x3f: {  	[spmem:s3] =	stream.indirect.scatter.add.f32 [tilespmem:s20], [sflag:$0x4], $0x80, s29, s17, $0xb8;
	[tilespmem:$0x1E800] =	vst v63  }
0x40: {  	_ =	swait.ge [sflag:s23], $0x3E80  }
0x41: {  	s30 =	smov.u32 s2;
	s29 =	sshra.s32 s0, $0x2;
	[sflag:s23] =	ssyncset.done $0x0  }
0x42: {  	s0 =	sadd.s32 $0x80, s29;
	[sflag:s23] =	ssyncadd.s32 $0xFFFFC180  }
0x43: {  	[tilespmem:s20], [sflag:$0x2] =	stream.indirect.gather [hbm4b:s1+s17], $0x80, s0, s17, $0xb8;
	[tilespmem:$0x1E800] =	vst v63  }
0x44: {  	_ =	swait.ge [sflag:s21], $0x3E80  }
0x45: {  	[sflag:s21] =	ssyncset.done $0x0  }
0x46: {  	s2 =	sadd.s32 $0x1400, s29;
	[sflag:s21] =	ssyncadd.s32 $0xFFFFC180  }
0x47: {  	[spmem:s3] =	stream.indirect.scatter.add.f32 [tilespmem:s18], [sflag:$0x3], $0x80, s2, s17, $0xb8;
	[tilespmem:$0x1E800] =	vst v63  }
0x48: {  	_ =	swait.ge [sflag:s19], $0x3E80  }
0x49: {  	[sflag:s19] =	ssyncset.done $0x0  }
0x4a: {  	s31 =	sadd.s32 $0x100, s29;
	[sflag:s19] =	ssyncadd.s32 $0xFFFFC180  }
0x4b: {  	[tilespmem:s18], [sflag:$0x1] =	stream.indirect.gather [hbm4b:s1+s17], $0x80, s31, s17, $0xb8;
	[tilespmem:$0x1E800] =	vst v63  }
0x4c: {  	_ =	swait.ge [sflag:s22], $0x3E80  }
0x4d: {  	[sflag:s22] =	ssyncset.done $0x0  }
0x4e: {  	s2 =	sadd.s32 $0x1480, s29;
	[sflag:s22] =	ssyncadd.s32 $0xFFFFC180  }
0x4f: {  	[spmem:s3] =	stream.indirect.scatter.add.f32 [tilespmem:s20], [sflag:$0x4], $0x80, s2, s17, $0xb8;
	[tilespmem:$0x1E800] =	vst v63  }
0x50: {  	_ =	swait.ge [sflag:s23], $0x3E80  }
0x51: {  	[sflag:s23] =	ssyncset.done $0x0  }
0x52: {  	[sflag:s23] =	ssyncadd.s32 $0xFFFFC180  }
0x53: {  	[tilespmem:s20], [sflag:$0x2] =	stream.indirect.gather [hbm4b:s1+s17], $0x80, s24, s17, $0xb8;
	[tilespmem:$0x1E800] =	vst v63  }
0x54: {  	_ =	swait.ge [sflag:s21], $0x3E80  }
0x55: {  	[sflag:s21] =	ssyncset.done $0x0  }
0x56: {  	[sflag:s21] =	ssyncadd.s32 $0xFFFFC180  }
0x57: {  	[spmem:s3] =	stream.indirect.scatter.add.f32 [tilespmem:s18], [sflag:$0x3], $0x80, s25, s17, $0xb8;
	[tilespmem:$0x1E800] =	vst v63  }
0x58: {  	_ =	swait.ge [sflag:s19], $0x3E80  }
0x59: {  	[sflag:s19] =	ssyncset.done $0x0  }
0x5a: {  	[sflag:s19] =	ssyncadd.s32 $0xFFFFC180  }
0x5b: {  	_ =	swait.ge [sflag:s22], $0x3E80  }
0x5c: {  	[sflag:s22] =	ssyncset.done $0x0  }
0x5d: {  	[sflag:s22] =	ssyncadd.s32 $0xFFFFC180  }
0x5e: {  	[spmem:s3] =	stream.indirect.scatter.add.f32 [tilespmem:s20], [sflag:$0x4], $0x80, s26, s17, $0xb8;
	[tilespmem:$0x1E800] =	vst v63  }
0x5f: {  	_ =	swait.ge [sflag:s23], $0x3E80  }
0x60: {  	[sflag:s23] =	ssyncset.done $0x0  }
0x61: {  	s31 =	simm.s32 $0x0;
	[sflag:s23] =	ssyncadd.s32 $0xFFFFC180  }
0x62: {  	[tilespmem:s31], [sflag:$0x5] =	stream.linear.gather [hbm4b:s10+s31], $0x1400, $0x38;
	[tilespmem:$0x1E800] =	vst v63  }
0x63: {  	_ =	swait.ge [sflag:s15], $0x1400  }
0x64: {  	[sflag:s15] =	ssyncset.done $0x0  }
0x65: {  	[sflag:s15] =	ssyncadd.s32 $0xFFFFEC00  }
0x66: {  	[tilespmem:s16], [sflag:$0x5] =	stream.linear.gather [hbm4b:s11+s31], $0x1400, $0x38;
	[tilespmem:$0x1E800] =	vst v63  }
0x67: {  	_ =	swait.ge [sflag:s15], $0x1400  }
0x68: {  	[sflag:s15] =	ssyncset.done $0x0  }
0x69: {  	[sflag:s15] =	ssyncadd.s32 $0xFFFFEC00  }
0x6a: {  	[tilespmem:s18], [sflag:$0x1] =	stream.indirect.gather [hbm4b:s1+s17], $0x80, s31, s17, $0xb8;
	[tilespmem:$0x1E800] =	vst v63  }
0x6b: {  	s2 =	simm.s32 $0x80  }
0x6c: {  	[tilespmem:s20], [sflag:$0x2] =	stream.indirect.gather [hbm4b:s1+s17], $0x80, s2, s17, $0xb8;
	[tilespmem:$0x1E800] =	vst v63  }
0x6d: {  	_ =	swait.ge [sflag:s21], $0x3E80  }
0x6e: {  	[sflag:s21] =	ssyncset.done $0x0  }
0x6f: {  	s31 =	simm.s32 $0x1400;
	[sflag:s21] =	ssyncadd.s32 $0xFFFFC180  }
0x70: {  	[spmem:s3] =	stream.indirect.scatter.add.f32 [tilespmem:s18], [sflag:$0x3], $0x80, s31, s17, $0xb8;
	[tilespmem:$0x1E800] =	vst v63  }
0x71: {  	_ =	swait.ge [sflag:s19], $0x3E80  }
0x72: {  	[sflag:s19] =	ssyncset.done $0x0  }
0x73: {  	s2 =	simm.s32 $0x100;
	[sflag:s19] =	ssyncadd.s32 $0xFFFFC180  }
0x74: {  	[tilespmem:s18], [sflag:$0x1] =	stream.indirect.gather [hbm4b:s1+s17], $0x80, s2, s17, $0xb8;
	[tilespmem:$0x1E800] =	vst v63  }
0x75: {  	_ =	swait.ge [sflag:s22], $0x3E80  }
0x76: {  	[sflag:s22] =	ssyncset.done $0x0  }
0x77: {  	s31 =	simm.s32 $0x1480;
	[sflag:s22] =	ssyncadd.s32 $0xFFFFC180  }
0x78: {  	[spmem:s3] =	stream.indirect.scatter.add.f32 [tilespmem:s20], [sflag:$0x4], $0x80, s31, s17, $0xb8;
	[tilespmem:$0x1E800] =	vst v63  }
0x79: {  	_ =	swait.ge [sflag:s23], $0x3E80  }
0x7a: {  	s30 =	simm.s32 $0x800;
	s29 =	simm.s32 $0x100;
	[sflag:s23] =	ssyncset.done $0x0  }
.LBB2_4:
0x7b: {  	s0 =	sadd.s32 $0x80, s29  }
0x7c: {  	[sflag:s23] =	ssyncadd.s32 $0xFFFFC180;
	s2 =	smov.u32 s30;
	s31 =	sadd.s32 $0x400, s30  }
0x7d: {  	[tilespmem:s20], [sflag:$0x2] =	stream.indirect.gather [hbm4b:s1+s17], $0x80, s0, s17, $0xb8;
	[tilespmem:$0x1E800] =	vst v63  }
0x7e: {  	p0 =	sne.s32 s30, $0x4800;
	_ =	swait.ge [sflag:s21], $0x3E80  }
0x7f: {  	[sflag:s21] =	ssyncset.done $0x0  }
0x80: {  	s0 =	sadd.s32 $0x1400, s29;
	[sflag:s21] =	ssyncadd.s32 $0xFFFFC180  }
0x81: {  	[spmem:s3] =	stream.indirect.scatter.add.f32 [tilespmem:s18], [sflag:$0x3], $0x80, s0, s17, $0xb8;
	[tilespmem:$0x1E800] =	vst v63  }
0x82: {  	_ =	swait.ge [sflag:s19], $0x3E80  }
0x83: {  	[sflag:s19] =	ssyncset.done $0x0  }
0x84: {  	s0 =	sadd.s32 $0x100, s29;
	[sflag:s19] =	ssyncadd.s32 $0xFFFFC180  }
0x85: {  	[tilespmem:s18], [sflag:$0x1] =	stream.indirect.gather [hbm4b:s1+s17], $0x80, s0, s17, $0xb8;
	[tilespmem:$0x1E800] =	vst v63  }
0x86: {  	_ =	swait.ge [sflag:s22], $0x3E80  }
.Ltmp1:
0x87: {  	[sflag:s22] =	ssyncset.done $0x0;
	(pc) =	sbr.rel @p0 .LBB2_4-.Ltmp1, $4  }
0x88: {  	s0 =	sadd.s32 $0x1480, s29;
	[sflag:s22] =	ssyncadd.s32 $0xFFFFC180  }
0x89: {  	[spmem:s3] =	stream.indirect.scatter.add.f32 [tilespmem:s20], [sflag:$0x4], $0x80, s0, s17, $0xb8;
	[tilespmem:$0x1E800] =	vst v63  }
0x8a: {  	_ =	swait.ge [sflag:s23], $0x3E80  }
0x8b: {  	s30 =	smov.u32 s31;
	s29 =	sshra.s32 s2, $0x2;
	[sflag:s23] =	ssyncset.done $0x0  }
0x8c: {  	s0 =	sadd.s32 $0x80, s29;
	[sflag:s23] =	ssyncadd.s32 $0xFFFFC180  }
0x8d: {  	[tilespmem:s20], [sflag:$0x2] =	stream.indirect.gather [hbm4b:s1+s17], $0x80, s0, s17, $0xb8;
	[tilespmem:$0x1E800] =	vst v63  }
0x8e: {  	_ =	swait.ge [sflag:s21], $0x3E80  }
0x8f: {  	[sflag:s21] =	ssyncset.done $0x0  }
0x90: {  	s31 =	sadd.s32 $0x1400, s29;
	[sflag:s21] =	ssyncadd.s32 $0xFFFFC180  }
0x91: {  	[spmem:s3] =	stream.indirect.scatter.add.f32 [tilespmem:s18], [sflag:$0x3], $0x80, s31, s17, $0xb8;
	[tilespmem:$0x1E800] =	vst v63  }
0x92: {  	_ =	swait.ge [sflag:s19], $0x3E80  }
0x93: {  	[sflag:s19] =	ssyncset.done $0x0  }
0x94: {  	s2 =	sadd.s32 $0x100, s29;
	[sflag:s19] =	ssyncadd.s32 $0xFFFFC180  }
0x95: {  	[tilespmem:s18], [sflag:$0x1] =	stream.indirect.gather [hbm4b:s1+s17], $0x80, s2, s17, $0xb8;
	[tilespmem:$0x1E800] =	vst v63  }
0x96: {  	_ =	swait.ge [sflag:s22], $0x3E80  }
0x97: {  	[sflag:s22] =	ssyncset.done $0x0  }
0x98: {  	s30 =	sadd.s32 $0x1480, s29;
	[sflag:s22] =	ssyncadd.s32 $0xFFFFC180  }
0x99: {  	[spmem:s3] =	stream.indirect.scatter.add.f32 [tilespmem:s20], [sflag:$0x4], $0x80, s30, s17, $0xb8;
	[tilespmem:$0x1E800] =	vst v63  }
0x9a: {  	_ =	swait.ge [sflag:s23], $0x3E80  }
0x9b: {  	[sflag:s23] =	ssyncset.done $0x0  }
0x9c: {  	[sflag:s23] =	ssyncadd.s32 $0xFFFFC180  }
0x9d: {  	[tilespmem:s20], [sflag:$0x2] =	stream.indirect.gather [hbm4b:s1+s17], $0x80, s24, s17, $0xb8;
	[tilespmem:$0x1E800] =	vst v63  }
0x9e: {  	_ =	swait.ge [sflag:s21], $0x3E80  }
0x9f: {  	[sflag:s21] =	ssyncset.done $0x0  }
0xa0: {  	[sflag:s21] =	ssyncadd.s32 $0xFFFFC180  }
0xa1: {  	[spmem:s3] =	stream.indirect.scatter.add.f32 [tilespmem:s18], [sflag:$0x3], $0x80, s25, s17, $0xb8;
	[tilespmem:$0x1E800] =	vst v63  }
0xa2: {  	_ =	swait.ge [sflag:s19], $0x3E80  }
0xa3: {  	[sflag:s19] =	ssyncset.done $0x0  }
0xa4: {  	[sflag:s19] =	ssyncadd.s32 $0xFFFFC180  }
0xa5: {  	_ =	swait.ge [sflag:s22], $0x3E80  }
0xa6: {  	[sflag:s22] =	ssyncset.done $0x0  }
0xa7: {  	[sflag:s22] =	ssyncadd.s32 $0xFFFFC180  }
0xa8: {  	[spmem:s3] =	stream.indirect.scatter.add.f32 [tilespmem:s20], [sflag:$0x4], $0x80, s26, s17, $0xb8;
	[tilespmem:$0x1E800] =	vst v63  }
0xa9: {  	_ =	swait.ge [sflag:s23], $0x3E80  }
0xaa: {  	s28 =	sadd.s32 $0x1, s28;
	[sflag:s23] =	ssyncset.done $0x0  }
0xab: {  	p0 =	sne.s32 s28, s13;
	[sflag:s23] =	ssyncadd.s32 $0xFFFFC180  }
.Ltmp2:
0xac: {  	s31 =	sor.u32 $0x1C05, s5;
	[bflag:$0x0] =	sbarrier.arrive $0xFFFF;
	(pc) =	sbr.rel @p0 .LBB2_1-.Ltmp2, $4  }
0xad: {  	[hbm:s12], [sflag:s31] =	dma.local [spmem:s14], $0x2800  }
0xae: {  	_ =	swait.ge [sflag:s15], $0x2800  }
0xaf: {  	[sflag:s15] =	ssyncset.done $0x0  }
0xb0: {  	[sflag:s15] =	ssyncadd.s32 $0xFFFFD800  }
0xb1: {  	_ =	sfence.sel $0x180000  }
0xb2: {  	[bflag:$0x0] =	sbarrier.arrive $0xFFFF  }
0xb3: {  	_ =	strace $0x9000004A  }
0xb4: {  	s0 =	stileid.u32;
	[bflag:$0x2] =	sbarrier.arrive $0xFFFF  }
0xb5: {  	p0 =	sne.s32 s0, $0x0;
	s0 =	rddreg [dreg:$0x3]  }
0xb6: {  	s0 =	sadd.s32 @!p0 $0x100000, s0  }
0xb7: {  	[sflag:s0] =	ssyncadd.tile.s32 @!p0 $0x1;
	_ =	shalt  }
.Lfunc_end2:
_tile_overlayer_lowered:
.L_overlay_start_2:
0xb8: {  	(tag) =	ssettag $0x2  }
0xb9: {  	s0 =	rddreg [dreg:$0x0];
	s2 =	stileid.u32  }
0xba: {  	s1 =	rddreg [dreg:$0x1];
	p0 =	sne.s32 s2, $0x0  }
0xbb: {  	s3 =	rddreg [dreg:$0x2];
	[bflag:$0x3] =	sbarrier.arrive $0xFFFF;
	s2 =	simm.s32 @!p0 $0x1C05  }
0xbc: {  	[timem:s3], [sflag:s2] =	dma.local @!p0 [hbm:s0], s1  }
0xbd: {  	s0 =	simm.s32 @!p0 $0x5  }
0xbe: {  	_ =	swait.ge @!p0 [sflag:s0], s1  }
0xbf: {  	s1 =	ssub.s32 @!p0 $0x0, s1;
	[sflag:s0] =	ssyncset.done @!p0 $0x0  }
0xc0: {  	[sflag:s0] =	ssyncadd.s32 @!p0 s1  }
0xc1: {  	[bflag:$0x3] =	sbarrier.arrive $0xFFFF  }
0xc2: {  	_ =	shalt  }

// kernel: kernel.14.cloned.1.call-start
scs
__scs_entry_jumppad:
0x0: {  	(pc) =	sbr.rel $0x88, $3  }
0x1: {  	(tag) =	ssettag $0x0;
	lr =	simm.s32 $0x1  }
0x2: {  	[smem:$0x3F9B] =	sst lr;
	_ =	strace $0xD0000000  }
0x3: {  	_ = 	snop  }
0x4: {  	_ = 	snop  }
0x5: {  	_ = 	snop  }
0x6: {  	_ = 	snop  }
0x7: {  	_ = 	snop  }
__scs_overlays_trampoline_lowered:
0x8: {  	[smem:$0x3FAA] =	sst s0  }
0x9: {  	[smem:$0x3FAB] =	sst s1  }
0xa: {  	[smem:$0x3FAC] =	sst s2  }
0xb: {  	[smem:$0x3FAD] =	sst s3  }
0xc: {  	[smem:$0x3FAE] =	sst s4  }
0xd: {  	[smem:$0x3FAF] =	sst s5  }
0xe: {  	[smem:$0x3FB0] =	sst s6  }
0xf: {  	[smem:$0x3FB1] =	sst s7  }
0x10: {  	[smem:$0x3FB2] =	sst s8  }
0x11: {  	[smem:$0x3FB3] =	sst s9;
	s0 =	simm.s32 @!p0 $0x0  }
0x12: {  	s1 =	sld [smem:$0x3F99];
	s0 =	simm.s32 @p0 $0x1  }
0x13: {  	[smem:$0x3FB4] =	sst s0;
	s0 =	simm.s32 @!p1 $0x0  }
0x14: {  	s2 =	sld [smem:$0x3F98];
	s0 =	simm.s32 @p1 $0x1  }
0x15: {  	[smem:$0x3FB5] =	sst s0;
	s0 =	simm.s32 @!p2 $0x0  }
0x16: {  	s3 =	sld [smem:$0x3FDB];
	s0 =	simm.s32 @p2 $0x1  }
0x17: {  	s4 =	simm.s32 $0x1BF5;
	[smem:$0x3FB7] =	sst s0  }
0x18: {  	s0 =	sld [smem:$0x3F9A];
	_ =	swait.ge [sflag:s4], $0x0  }
0x19: {  	s7 =	sld [smem:$0x3F9B]  }
0x1a: {  	s8 =	sadd.s32 $0xFFFFE003, lr  }
0x1b: {  	s9 =	sadd.s32 $0xFFFFFEF7, lr;
	s5 =	simm.s32 $0xFFFFFFFF;
	p2 =	slt.u32 s8, $0xFFFFF086  }
0x1c: {  	p1 =	slt.u32 s9, $0xF7A;
	s5 =	simm.s32 @!p2 $0x0  }
0x1d: {  	s5 =	simm.s32 @p1 $0x1;
	p0 =	seq.s32 s7, s2  }
0x1e: {  	s7 =	smul.u32 @!p0 $0xF7A, s2;
	p2 =	seq.s32 @!p0 s5, $0x0  }
0x1f: {  	s9 =	smul.u32 $0xF7A, s1;
	s8 =	simm.s32 @!p0 $0x1BF5;
	p2 =	por !p2, p0  }
0x20: {  	[sflag:s8] =	ssyncset.s32 @!p0 $0xFFFFF086;
	s6 =	sadd.s32 @!p0 s3, s7;
	s7 =	simm.s32 @!p0 $0x108  }
0x21: {  	s3 =	sadd.s32 s3, s9;
	s6 =	sadd.s32 @!p0 $0x88, s6;
	s7 =	simm.s32 @p2 $0x1082  }
0x22: {  	[simem:s7], [sflag:s8] =	dma.local @!p0 [hbm:s6], $0xF7A  }
0x23: {  	s9 =	sor.u32 $0xD0000000, s2;
	s6 =	simm.s32 $0x108;
	_ =	swait.ge @!p0 [sflag:s8], $0x0  }
0x24: {  	s3 =	sadd.s32 $0x88, s3;
	s6 =	simm.s32 @!p1 $0x1082;
	[sflag:s4] =	ssyncset.s32 $0xFFFFF086  }
0x25: {  	[simem:s6], [sflag:s4] =	dma.local [hbm:s3], $0xF7A  }
0x26: {  	[smem:$0x3F9B] =	sst s1;
	(tag) =	ssettag s2;
	_ =	strace s9  }
0x27: {  	s1 =	sld [smem:$0x3FAB]  }
0x28: {  	s2 =	sld [smem:$0x3FAC]  }
0x29: {  	s4 =	sld [smem:$0x3FAE]  }
0x2a: {  	p0 =	seq.s32 s5, $0x0;
	s5 =	sld [smem:$0x3FAF]  }
0x2b: {  	s6 =	sld [smem:$0x3FB0]  }
0x2c: {  	s7 =	sld [smem:$0x3FB1]  }
0x2d: {  	s3 =	simm.s32 $0x108;
	s8 =	sld [smem:$0x3FB2]  }
0x2e: {  	s3 =	simm.s32 @!p0 $0x1082;
	s9 =	sld [smem:$0x3FB3]  }
0x2f: {  	lr =	sadd.s32 s0, s3;
	s0 =	sld [smem:$0x3FAA]  }
0x30: {  	s3 =	sld [smem:$0x3FAD]  }
0x31: {  	[smem:$0x3FB6] =	sst s10  }
0x32: {  	s10 =	sld [smem:$0x3FB4];
	_ =	sdelay $0x3  }
0x33: {  	p0 =	seq.s32 s10, $0x1;
	s10 =	sld [smem:$0x3FB6];
	_ =	sdelay $0x3  }
0x34: {  	[smem:$0x3FB6] =	sst s10  }
0x35: {  	s10 =	sld [smem:$0x3FB5];
	_ =	sdelay $0x3  }
0x36: {  	p1 =	seq.s32 s10, $0x1;
	s10 =	sld [smem:$0x3FB6];
	_ =	sdelay $0x3  }
0x37: {  	[smem:$0x3FB6] =	sst s10  }
0x38: {  	s10 =	sld [smem:$0x3FB7]  }
0x39: {  	_ = 	snop;
	(pc) =	sbr.ind lr, $3  }
0x3a: {  	_ = 	snop  }
0x3b: {  	_ = 	snop  }
0x3c: {  	p2 =	seq.s32 s10, $0x1;
	s10 =	sld [smem:$0x3FB6]  }
0x3d: {  	_ =	shalt  }
0x3e: {  	_ =	shalt  }
0x3f: {  	_ =	shalt  }
0x40: {  	_ =	shalt  }
0x41: {  	_ =	shalt  }
0x42: {  	_ =	shalt  }
0x43: {  	_ =	shalt  }
0x44: {  	_ =	shalt  }
0x45: {  	_ =	shalt  }
0x46: {  	_ =	shalt  }
0x47: {  	_ =	shalt  }
0x48: {  	_ =	shalt  }
0x49: {  	_ =	shalt  }
0x4a: {  	_ =	shalt  }
0x4b: {  	_ =	shalt  }
0x4c: {  	_ =	shalt  }
0x4d: {  	_ =	shalt  }
0x4e: {  	_ =	shalt  }
0x4f: {  	_ =	shalt  }
0x50: {  	_ =	shalt  }
0x51: {  	_ =	shalt  }
0x52: {  	_ =	shalt  }
0x53: {  	_ =	shalt  }
0x54: {  	_ =	shalt  }
0x55: {  	_ =	shalt  }
0x56: {  	_ =	shalt  }
0x57: {  	_ =	shalt  }
0x58: {  	_ =	shalt  }
0x59: {  	_ =	shalt  }
0x5a: {  	_ =	shalt  }
0x5b: {  	_ =	shalt  }
0x5c: {  	_ =	shalt  }
0x5d: {  	_ =	shalt  }
0x5e: {  	_ =	shalt  }
0x5f: {  	_ =	shalt  }
0x60: {  	_ =	shalt  }
0x61: {  	_ =	shalt  }
0x62: {  	_ =	shalt  }
0x63: {  	_ =	shalt  }
0x64: {  	_ =	shalt  }
0x65: {  	_ =	shalt  }
0x66: {  	_ =	shalt  }
0x67: {  	_ =	shalt  }
0x68: {  	_ =	shalt  }
0x69: {  	_ =	shalt  }
0x6a: {  	_ =	shalt  }
0x6b: {  	_ =	shalt  }
0x6c: {  	_ =	shalt  }
0x6d: {  	_ =	shalt  }
0x6e: {  	_ =	shalt  }
0x6f: {  	_ =	shalt  }
0x70: {  	_ =	shalt  }
0x71: {  	_ =	shalt  }
0x72: {  	_ =	shalt  }
0x73: {  	_ =	shalt  }
0x74: {  	_ =	shalt  }
0x75: {  	_ =	shalt  }
0x76: {  	_ =	shalt  }
0x77: {  	_ =	shalt  }
0x78: {  	_ =	shalt  }
0x79: {  	_ =	shalt  }
0x7a: {  	_ =	shalt  }
0x7b: {  	_ =	shalt  }
0x7c: {  	_ =	shalt  }
0x7d: {  	_ =	shalt  }
0x7e: {  	_ =	shalt  }
0x7f: {  	_ =	shalt  }
0x80: {  	_ =	shalt  }
0x81: {  	_ =	shalt  }
0x82: {  	_ =	shalt  }
0x83: {  	_ =	shalt  }
0x84: {  	_ =	shalt  }
0x85: {  	_ =	shalt  }
0x86: {  	_ =	shalt  }
0x87: {  	_ =	shalt  }
.Lfunc_end0:
.L_simem_size_0:
called_computation.2_lowered:
.L_overlay_start_0:
0x88: {  	s2 =	sld [smem:$0x3FD9]  }
0x89: {  	s3 =	sld [smem:$0x3FFE];
	_ =	sdelay $0x1  }
0x8a: {  	s1 =	srdreg.scid  }
0x8b: {  	s0 =	sand.u32 $0x1, s1  }
0x8c: {  	s17 =	sshll.u32 s0, $0xA;
	s2 =	sadd.s32 s3, s2  }
0x8d: {  	s2 =	sadd.s32 s2, s17  }
0x8e: {  	[smem:$0x3FC2] =	sst s2  }
0x8f: {  	_ = 	snop  }
0x90: {  	s2 =	sld [smem:$0x3FD0];
	(tm) =	ssettm $0x1  }
0x91: {  	s18 =	sld [smem:$0x3FFB];
	_ =	sdelay $0x3  }
0x92: {  	_ =	strace s18  }
0x93: {  	s3 =	sld [smem:$0x3FFC];
	_ =	sdelay $0x3  }
0x94: {  	_ =	strace s3  }
0x95: {  	s3 =	sld [smem:$0x3FFD];
	_ =	sdelay $0x3  }
0x96: {  	_ =	strace s3  }
0x97: {  	_ =	strace $0x8FFFFFFF  }
0x98: {  	s19 =	sld [smem:$0x3FDB];
	_ =	sdelay $0x1  }
0x99: {  	s4 =	simm.s32 $_scs_section_size  }
0x9a: {  	s5 =	simm.s32 $_size__tile_overlayer_lowered;
	s6 =	simm.s32 $_tile_overlayer_lowered  }
0x9b: {  	s22 =	simm.s32 $0x1BFF;
	s21 =	sshll.u32 s6, $0x1;
	s3 =	sadd.s32 s4, s19  }
0x9c: {  	s7 =	simm.s32 $0x0;
	s20 =	sshll.u32 s5, $0x1;
	s5 =	sadd.s32 s21, s3  }
0x9d: {  	[timem:s7], [sflag:s22] =	dma.local [hbm:s5], s20  }
0x9e: {  	_ =	swait.ge [sflag:s22], s20  }
0x9f: {  	s4 =	ssub.s32 $0x0, s20;
	[sflag:s22] =	ssyncset.done $0x0  }
0xa0: {  	[sflag:s22] =	ssyncadd.s32 s4;
	_ =	sdelay $0x1  }
0xa1: {  	s23 =	simm.s32 $0x1B8B  }
0xa2: {  	_ =	swait.ge [sflag:s23], $0x1  }
0xa3: {  	[sflag:s23] =	ssyncset.done $0x0  }
0xa4: {  	s25 =	simm.s32 $0x1B8E;
	s24 =	sld [smem:$0x3FFE];
	[sflag:s23] =	ssyncadd.s32 $0xFFFFFFFF  }
0xa5: {  	s26 =	simm.s32 $execute0_lowered;
	[smem:$0x3FD2] =	sst s25  }
0xa6: {  	s5 =	sshll.u32 s26, $0x1;
	_ =	strace $0x8000004C;
	[dreg:$0x1] =	wrdreg $0xFFFFFFFF  }
0xa7: {  	s28 =	simm.s32 $_size_execute0_lowered;
	s3 =	sadd.s32 s3, s5;
	[dreg:$0x0] =	wrdreg $0x0  }
0xa8: {  	s5 =	sshll.u32 s28, $0x1;
	[dreg:$0x2] =	wrdreg s3  }
0xa9: {  	[dreg:$0x3] =	wrdreg s5  }
0xaa: {  	[dreg:$0x4] =	wrdreg $0xC0  }
0xab: {  	_ =	task [dreg:s7], $0x5FFFF  }
0xac: {  	[dreg:$0x1] =	wrdreg $0xFFFFFFFF  }
0xad: {  	[dreg:$0x0] =	wrdreg $0x60  }
0xae: {  	[dreg:$0x2] =	wrdreg s2  }
0xaf: {  	[dreg:$0x3] =	wrdreg s24  }
0xb0: {  	[dreg:$0x4] =	wrdreg $0xA8000  }
0xb1: {  	[dreg:$0x5] =	wrdreg $0x9  }
0xb2: {  	_ =	task.clear_ibuf [dreg:s7], $0x6FFFF;
	_ =	strace $0x9000004C  }
0xb3: {  	s29 =	simm.s32 $0x9;
	_ =	strace $0x8000004E  }
0xb4: {  	_ =	swait.ge [sflag:s29], $0x1  }
0xb5: {  	[sflag:s29] =	ssyncadd.s32 $0xFFFFFFFF  }
0xb6: {  	_ =	strace $0x9000004E  }
0xb7: {  	_ =	sfence  }
0xb8: {  	s30 =	sld [smem:$0x0];
	_ =	sdelay $0x2  }
0xb9: {  	s31 =	sshll.u32 s1, $0xD;
	s1 =	sshrl.u32 s1, $0x2  }
0xba: {  	s3 =	sand.u32 $0x4000, s31;
	s1 =	sadd.s32 s1, s30  }
0xbb: {  	s0 =	sor.u32 s3, s0;
	s1 =	sshll.u32 s1, $0x11  }
0xbc: {  	s0 =	sor.u32 s1, s0  }
0xbd: {  	s0 =	sadd.s32 $0x8F2B, s0  }
0xbe: {  	[sflag:s0] =	ssyncadd.remote.s32 $0x1  }
0xbf: {  	_ =	sfence.sel $0xFFFF  }
0xc0: {  	[dreg:$0x0] =	wrdreg $0xFFFFFFFF;
	(pc) =	sbr.abs _section_cstart, $3  }
0xc1: {  	[dreg:$0x1] =	wrdreg $0xFFFFFFFF  }
0xc2: {  	_ =	task.clear_ibuf [dreg:s7], $0x2FFFF;
	_ =	strace $0x9FFFFFFF  }
0xc3: {  	(tm) =	ssettm $0x7FFFFFFF  }
tec
execute0_lowered:
.L_overlay_start_1:
0x0: {  	(tag) =	ssettag $0x1  }
0x1: {  	s1 =	rddreg [dreg:$0x0]  }
0x2: {  	s5 =	rddreg [dreg:$0x1]  }
0x3: {  	s3 =	rddreg [dreg:$0x2];
	s4 =	simm.s32 $0x0  }
0x4: {  	s0 =	stileid.u32;
	s7 =	srdreg.scid;
	s17 =	simm.s32 $0x7D  }
0x5: {  	s18 =	simm.s32 $0x2800;
	s19 =	simm.s32 $0x3;
	s20 =	simm.s32 $0x6800  }
0x6: {  	s21 =	simm.s32 $0x1;
	s22 =	simm.s32 $0x2;
	s23 =	simm.s32 $0x4  }
0x7: {  	s24 =	simm.s32 $0x1380;
	s25 =	simm.s32 $0x2700;
	s6 =	smul.u32 $0x14000, s0  }
0x8: {  	s28 =	simm.s32 $0x0;
	[smem:$0x7FF] =	sst s4;
	s12 =	smul.u32 $0x50000, s0  }
0x9: {  	s7 =	sand.u32 $0x1, s7;
	s10 =	sadd.s32 $0xD200, s5;
	s14 =	smul.u32 $0x2800, s0  }
0xa: {  	s11 =	sadd.s32 $0x3200, s5;
	_ =	strace $0x8000004D;
	s9 =	smul.u32 $0x140000, s7  }
0xb: {  	s26 =	ssub.s32 $0x2, s7;
	s7 =	smul.u32 $0x28000, s7;
	s8 =	sshrl.u32 s6, $0x3  }
0xc: {  	s13 =	sshrl.u32 s26, $0x1;
	s29 =	sshrl.u32 s12, $0x2;
	s8 =	sadd.s32 s8, s5  }
0xd: {  	s6 =	sadd.s32 s6, s9;
	s13 =	ssub.s32 s26, s13;
	s16 =	sadd.s32 s29, s3  }
0xe: {  	s30 =	sadd.s32 s14, s7;
	s26 =	simm.s32 $0x2780;
	s6 =	sshrl.u32 s6, $0x3  }
0xf: {  	s31 =	sshrl.u32 s30, $0x3;
	s13 =	smax.u32 s13, $0x1;
	s14 =	sshrl.u32 s16, $0x3  }
0x10: {  	s16 =	simm.s32 $0x1400;
	s15 =	sadd.s32 s6, s5;
	s5 =	sshll.u32 s0, $0x6  }
0x11: {  	s6 =	sadd.s32 $0x17200, s8;
	s8 =	sadd.s32 s10, s31;
	s12 =	sadd.s32 $0x280, s31  }
0x12: {  	s9 =	sadd.s32 s11, s31;
	s7 =	sor.u32 $0x1C03, s5;
	s10 =	sadd.s32 s10, s12  }
0x13: {  	s11 =	sadd.s32 s11, s12;
	s12 =	sadd.s32 $0x3F200, s15;
	s15 =	simm.s32 $0x5  }
.LBB2_1:
0x14: {  	[spmem:s14], [sflag:s7] =	dma.local [hbm:s6], $0x2800  }
0x15: {  	[tilespmem:s4], [sflag:$0x5] =	stream.linear.gather [hbm4b:s8+s4], $0x1400, $0x38;
	[tilespmem:$0x1E800] =	vst v63  }
0x16: {  	_ =	swait.ge [sflag:s15], $0x1400  }
0x17: {  	[sflag:s15] =	ssyncset.done $0x0  }
0x18: {  	[sflag:s15] =	ssyncadd.s32 $0xFFFFEC00  }
0x19: {  	[tilespmem:s16], [sflag:$0x5] =	stream.linear.gather [hbm4b:s9+s4], $0x1400, $0x38;
	[tilespmem:$0x1E800] =	vst v63  }
0x1a: {  	_ =	swait.ge [sflag:s15], $0x1400  }
0x1b: {  	[sflag:s15] =	ssyncset.done $0x0  }
0x1c: {  	[sflag:s15] =	ssyncadd.s32 $0xFFFFEC00  }
0x1d: {  	[tilespmem:s18], [sflag:$0x1] =	stream.indirect.gather [hbm4b:s1+s17], $0x80, s4, s17, $0xb8;
	[tilespmem:$0x1E800] =	vst v63  }
0x1e: {  	_ =	swait.ge [sflag:s19], $0x2800  }
0x1f: {  	[sflag:s19] =	ssyncset.done $0x0  }
0x20: {  	[sflag:s19] =	ssyncadd.s32 $0xFFFFD800  }
0x21: {  	s29 =	simm.s32 $0x80;
	[bflag:$0x0] =	sbarrier.arrive $0xFFFF  }
0x22: {  	[tilespmem:s20], [sflag:$0x2] =	stream.indirect.gather [hbm4b:s1+s17], $0x80, s29, s17, $0xb8;
	[tilespmem:$0x1E800] =	vst v63  }
0x23: {  	_ =	swait.ge [sflag:s21], $0x3E80  }
0x24: {  	[sflag:s21] =	ssyncset.done $0x0  }
0x25: {  	s29 =	simm.s32 $0x1400;
	[sflag:s21] =	ssyncadd.s32 $0xFFFFC180  }
0x26: {  	[spmem:s3] =	stream.indirect.scatter.add.f32 [tilespmem:s18], [sflag:$0x3], $0x80, s29, s17, $0xb8;
	[tilespmem:$0x1E800] =	vst v63  }
0x27: {  	_ =	swait.ge [sflag:s19], $0x3E80  }
0x28: {  	[sflag:s19] =	ssyncset.done $0x0  }
0x29: {  	s29 =	simm.s32 $0x100;
	[sflag:s19] =	ssyncadd.s32 $0xFFFFC180  }
0x2a: {  	[tilespmem:s18], [sflag:$0x1] =	stream.indirect.gather [hbm4b:s1+s17], $0x80, s29, s17, $0xb8;
	[tilespmem:$0x1E800] =	vst v63  }
0x2b: {  	_ =	swait.ge [sflag:s22], $0x3E80  }
0x2c: {  	[sflag:s22] =	ssyncset.done $0x0  }
0x2d: {  	s29 =	simm.s32 $0x1480;
	[sflag:s22] =	ssyncadd.s32 $0xFFFFC180  }
0x2e: {  	[spmem:s3] =	stream.indirect.scatter.add.f32 [tilespmem:s20], [sflag:$0x4], $0x80, s29, s17, $0xb8;
	[tilespmem:$0x1E800] =	vst v63  }
0x2f: {  	_ =	swait.ge [sflag:s23], $0x3E80  }
0x30: {  	s30 =	simm.s32 $0x800;
	s29 =	simm.s32 $0x100;
	[sflag:s23] =	ssyncset.done $0x0  }
.LBB2_2:
0x31: {  	s31 =	sadd.s32 $0x80, s29  }
0x32: {  	[sflag:s23] =	ssyncadd.s32 $0xFFFFC180;
	s0 =	smov.u32 s30;
	s2 =	sadd.s32 $0x400, s30  }
0x33: {  	[tilespmem:s20], [sflag:$0x2] =	stream.indirect.gather [hbm4b:s1+s17], $0x80, s31, s17, $0xb8;
	[tilespmem:$0x1E800] =	vst v63  }
0x34: {  	p0 =	sne.s32 s30, $0x4800;
	_ =	swait.ge [sflag:s21], $0x3E80  }
0x35: {  	[sflag:s21] =	ssyncset.done $0x0  }
0x36: {  	s30 =	sadd.s32 $0x1400, s29;
	[sflag:s21] =	ssyncadd.s32 $0xFFFFC180  }
0x37: {  	[spmem:s3] =	stream.indirect.scatter.add.f32 [tilespmem:s18], [sflag:$0x3], $0x80, s30, s17, $0xb8;
	[tilespmem:$0x1E800] =	vst v63  }
0x38: {  	_ =	swait.ge [sflag:s19], $0x3E80  }
0x39: {  	[sflag:s19] =	ssyncset.done $0x0  }
0x3a: {  	s30 =	sadd.s32 $0x100, s29;
	[sflag:s19] =	ssyncadd.s32 $0xFFFFC180  }
0x3b: {  	[tilespmem:s18], [sflag:$0x1] =	stream.indirect.gather [hbm4b:s1+s17], $0x80, s30, s17, $0xb8;
	[tilespmem:$0x1E800] =	vst v63  }
0x3c: {  	_ =	swait.ge [sflag:s22], $0x3E80  }
.Ltmp0:
0x3d: {  	[sflag:s22] =	ssyncset.done $0x0;
	(pc) =	sbr.rel @p0 .LBB2_2-.Ltmp0, $4  }
0x3e: {  	s29 =	sadd.s32 $0x1480, s29;
	[sflag:s22] =	ssyncadd.s32 $0xFFFFC180  }
0x3f: {  	[spmem:s3] =	stream.indirect.scatter.add.f32 [tilespmem:s20], [sflag:$0x4], $0x80, s29, s17, $0xb8;
	[tilespmem:$0x1E800] =	vst v63  }
0x40: {  	_ =	swait.ge [sflag:s23], $0x3E80  }
0x41: {  	s30 =	smov.u32 s2;
	s29 =	sshra.s32 s0, $0x2;
	[sflag:s23] =	ssyncset.done $0x0  }
0x42: {  	s0 =	sadd.s32 $0x80, s29;
	[sflag:s23] =	ssyncadd.s32 $0xFFFFC180  }
0x43: {  	[tilespmem:s20], [sflag:$0x2] =	stream.indirect.gather [hbm4b:s1+s17], $0x80, s0, s17, $0xb8;
	[tilespmem:$0x1E800] =	vst v63  }
0x44: {  	_ =	swait.ge [sflag:s21], $0x3E80  }
0x45: {  	[sflag:s21] =	ssyncset.done $0x0  }
0x46: {  	s2 =	sadd.s32 $0x1400, s29;
	[sflag:s21] =	ssyncadd.s32 $0xFFFFC180  }
0x47: {  	[spmem:s3] =	stream.indirect.scatter.add.f32 [tilespmem:s18], [sflag:$0x3], $0x80, s2, s17, $0xb8;
	[tilespmem:$0x1E800] =	vst v63  }
0x48: {  	_ =	swait.ge [sflag:s19], $0x3E80  }
0x49: {  	[sflag:s19] =	ssyncset.done $0x0  }
0x4a: {  	s31 =	sadd.s32 $0x100, s29;
	[sflag:s19] =	ssyncadd.s32 $0xFFFFC180  }
0x4b: {  	[tilespmem:s18], [sflag:$0x1] =	stream.indirect.gather [hbm4b:s1+s17], $0x80, s31, s17, $0xb8;
	[tilespmem:$0x1E800] =	vst v63  }
0x4c: {  	_ =	swait.ge [sflag:s22], $0x3E80  }
0x4d: {  	[sflag:s22] =	ssyncset.done $0x0  }
0x4e: {  	s2 =	sadd.s32 $0x1480, s29;
	[sflag:s22] =	ssyncadd.s32 $0xFFFFC180  }
0x4f: {  	[spmem:s3] =	stream.indirect.scatter.add.f32 [tilespmem:s20], [sflag:$0x4], $0x80, s2, s17, $0xb8;
	[tilespmem:$0x1E800] =	vst v63  }
0x50: {  	_ =	swait.ge [sflag:s23], $0x3E80  }
0x51: {  	[sflag:s23] =	ssyncset.done $0x0  }
0x52: {  	[sflag:s23] =	ssyncadd.s32 $0xFFFFC180  }
0x53: {  	[tilespmem:s20], [sflag:$0x2] =	stream.indirect.gather [hbm4b:s1+s17], $0x80, s24, s17, $0xb8;
	[tilespmem:$0x1E800] =	vst v63  }
0x54: {  	_ =	swait.ge [sflag:s21], $0x3E80  }
0x55: {  	[sflag:s21] =	ssyncset.done $0x0  }
0x56: {  	[sflag:s21] =	ssyncadd.s32 $0xFFFFC180  }
0x57: {  	[spmem:s3] =	stream.indirect.scatter.add.f32 [tilespmem:s18], [sflag:$0x3], $0x80, s25, s17, $0xb8;
	[tilespmem:$0x1E800] =	vst v63  }
0x58: {  	_ =	swait.ge [sflag:s19], $0x3E80  }
0x59: {  	[sflag:s19] =	ssyncset.done $0x0  }
0x5a: {  	[sflag:s19] =	ssyncadd.s32 $0xFFFFC180  }
0x5b: {  	_ =	swait.ge [sflag:s22], $0x3E80  }
0x5c: {  	[sflag:s22] =	ssyncset.done $0x0  }
0x5d: {  	[sflag:s22] =	ssyncadd.s32 $0xFFFFC180  }
0x5e: {  	[spmem:s3] =	stream.indirect.scatter.add.f32 [tilespmem:s20], [sflag:$0x4], $0x80, s26, s17, $0xb8;
	[tilespmem:$0x1E800] =	vst v63  }
0x5f: {  	_ =	swait.ge [sflag:s23], $0x3E80  }
0x60: {  	[sflag:s23] =	ssyncset.done $0x0  }
0x61: {  	s31 =	simm.s32 $0x0;
	[sflag:s23] =	ssyncadd.s32 $0xFFFFC180  }
0x62: {  	[tilespmem:s31], [sflag:$0x5] =	stream.linear.gather [hbm4b:s10+s31], $0x1400, $0x38;
	[tilespmem:$0x1E800] =	vst v63  }
0x63: {  	_ =	swait.ge [sflag:s15], $0x1400  }
0x64: {  	[sflag:s15] =	ssyncset.done $0x0  }
0x65: {  	[sflag:s15] =	ssyncadd.s32 $0xFFFFEC00  }
0x66: {  	[tilespmem:s16], [sflag:$0x5] =	stream.linear.gather [hbm4b:s11+s31], $0x1400, $0x38;
	[tilespmem:$0x1E800] =	vst v63  }
0x67: {  	_ =	swait.ge [sflag:s15], $0x1400  }
0x68: {  	[sflag:s15] =	ssyncset.done $0x0  }
0x69: {  	[sflag:s15] =	ssyncadd.s32 $0xFFFFEC00  }
0x6a: {  	[tilespmem:s18], [sflag:$0x1] =	stream.indirect.gather [hbm4b:s1+s17], $0x80, s31, s17, $0xb8;
	[tilespmem:$0x1E800] =	vst v63  }
0x6b: {  	s2 =	simm.s32 $0x80  }
0x6c: {  	[tilespmem:s20], [sflag:$0x2] =	stream.indirect.gather [hbm4b:s1+s17], $0x80, s2, s17, $0xb8;
	[tilespmem:$0x1E800] =	vst v63  }
0x6d: {  	_ =	swait.ge [sflag:s21], $0x3E80  }
0x6e: {  	[sflag:s21] =	ssyncset.done $0x0  }
0x6f: {  	s31 =	simm.s32 $0x1400;
	[sflag:s21] =	ssyncadd.s32 $0xFFFFC180  }
0x70: {  	[spmem:s3] =	stream.indirect.scatter.add.f32 [tilespmem:s18], [sflag:$0x3], $0x80, s31, s17, $0xb8;
	[tilespmem:$0x1E800] =	vst v63  }
0x71: {  	_ =	swait.ge [sflag:s19], $0x3E80  }
0x72: {  	[sflag:s19] =	ssyncset.done $0x0  }
0x73: {  	s2 =	simm.s32 $0x100;
	[sflag:s19] =	ssyncadd.s32 $0xFFFFC180  }
0x74: {  	[tilespmem:s18], [sflag:$0x1] =	stream.indirect.gather [hbm4b:s1+s17], $0x80, s2, s17, $0xb8;
	[tilespmem:$0x1E800] =	vst v63  }
0x75: {  	_ =	swait.ge [sflag:s22], $0x3E80  }
0x76: {  	[sflag:s22] =	ssyncset.done $0x0  }
0x77: {  	s31 =	simm.s32 $0x1480;
	[sflag:s22] =	ssyncadd.s32 $0xFFFFC180  }
0x78: {  	[spmem:s3] =	stream.indirect.scatter.add.f32 [tilespmem:s20], [sflag:$0x4], $0x80, s31, s17, $0xb8;
	[tilespmem:$0x1E800] =	vst v63  }
0x79: {  	_ =	swait.ge [sflag:s23], $0x3E80  }
0x7a: {  	s30 =	simm.s32 $0x800;
	s29 =	simm.s32 $0x100;
	[sflag:s23] =	ssyncset.done $0x0  }
.LBB2_4:
0x7b: {  	s0 =	sadd.s32 $0x80, s29  }
0x7c: {  	[sflag:s23] =	ssyncadd.s32 $0xFFFFC180;
	s2 =	smov.u32 s30;
	s31 =	sadd.s32 $0x400, s30  }
0x7d: {  	[tilespmem:s20], [sflag:$0x2] =	stream.indirect.gather [hbm4b:s1+s17], $0x80, s0, s17, $0xb8;
	[tilespmem:$0x1E800] =	vst v63  }
0x7e: {  	p0 =	sne.s32 s30, $0x4800;
	_ =	swait.ge [sflag:s21], $0x3E80  }
0x7f: {  	[sflag:s21] =	ssyncset.done $0x0  }
0x80: {  	s0 =	sadd.s32 $0x1400, s29;
	[sflag:s21] =	ssyncadd.s32 $0xFFFFC180  }
0x81: {  	[spmem:s3] =	stream.indirect.scatter.add.f32 [tilespmem:s18], [sflag:$0x3], $0x80, s0, s17, $0xb8;
	[tilespmem:$0x1E800] =	vst v63  }
0x82: {  	_ =	swait.ge [sflag:s19], $0x3E80  }
0x83: {  	[sflag:s19] =	ssyncset.done $0x0  }
0x84: {  	s0 =	sadd.s32 $0x100, s29;
	[sflag:s19] =	ssyncadd.s32 $0xFFFFC180  }
0x85: {  	[tilespmem:s18], [sflag:$0x1] =	stream.indirect.gather [hbm4b:s1+s17], $0x80, s0, s17, $0xb8;
	[tilespmem:$0x1E800] =	vst v63  }
0x86: {  	_ =	swait.ge [sflag:s22], $0x3E80  }
.Ltmp1:
0x87: {  	[sflag:s22] =	ssyncset.done $0x0;
	(pc) =	sbr.rel @p0 .LBB2_4-.Ltmp1, $4  }
0x88: {  	s0 =	sadd.s32 $0x1480, s29;
	[sflag:s22] =	ssyncadd.s32 $0xFFFFC180  }
0x89: {  	[spmem:s3] =	stream.indirect.scatter.add.f32 [tilespmem:s20], [sflag:$0x4], $0x80, s0, s17, $0xb8;
	[tilespmem:$0x1E800] =	vst v63  }
0x8a: {  	_ =	swait.ge [sflag:s23], $0x3E80  }
0x8b: {  	s30 =	smov.u32 s31;
	s29 =	sshra.s32 s2, $0x2;
	[sflag:s23] =	ssyncset.done $0x0  }
0x8c: {  	s0 =	sadd.s32 $0x80, s29;
	[sflag:s23] =	ssyncadd.s32 $0xFFFFC180  }
0x8d: {  	[tilespmem:s20], [sflag:$0x2] =	stream.indirect.gather [hbm4b:s1+s17], $0x80, s0, s17, $0xb8;
	[tilespmem:$0x1E800] =	vst v63  }
0x8e: {  	_ =	swait.ge [sflag:s21], $0x3E80  }
0x8f: {  	[sflag:s21] =	ssyncset.done $0x0  }
0x90: {  	s31 =	sadd.s32 $0x1400, s29;
	[sflag:s21] =	ssyncadd.s32 $0xFFFFC180  }
0x91: {  	[spmem:s3] =	stream.indirect.scatter.add.f32 [tilespmem:s18], [sflag:$0x3], $0x80, s31, s17, $0xb8;
	[tilespmem:$0x1E800] =	vst v63  }
0x92: {  	_ =	swait.ge [sflag:s19], $0x3E80  }
0x93: {  	[sflag:s19] =	ssyncset.done $0x0  }
0x94: {  	s2 =	sadd.s32 $0x100, s29;
	[sflag:s19] =	ssyncadd.s32 $0xFFFFC180  }
0x95: {  	[tilespmem:s18], [sflag:$0x1] =	stream.indirect.gather [hbm4b:s1+s17], $0x80, s2, s17, $0xb8;
	[tilespmem:$0x1E800] =	vst v63  }
0x96: {  	_ =	swait.ge [sflag:s22], $0x3E80  }
0x97: {  	[sflag:s22] =	ssyncset.done $0x0  }
0x98: {  	s30 =	sadd.s32 $0x1480, s29;
	[sflag:s22] =	ssyncadd.s32 $0xFFFFC180  }
0x99: {  	[spmem:s3] =	stream.indirect.scatter.add.f32 [tilespmem:s20], [sflag:$0x4], $0x80, s30, s17, $0xb8;
	[tilespmem:$0x1E800] =	vst v63  }
0x9a: {  	_ =	swait.ge [sflag:s23], $0x3E80  }
0x9b: {  	[sflag:s23] =	ssyncset.done $0x0  }
0x9c: {  	[sflag:s23] =	ssyncadd.s32 $0xFFFFC180  }
0x9d: {  	[tilespmem:s20], [sflag:$0x2] =	stream.indirect.gather [hbm4b:s1+s17], $0x80, s24, s17, $0xb8;
	[tilespmem:$0x1E800] =	vst v63  }
0x9e: {  	_ =	swait.ge [sflag:s21], $0x3E80  }
0x9f: {  	[sflag:s21] =	ssyncset.done $0x0  }
0xa0: {  	[sflag:s21] =	ssyncadd.s32 $0xFFFFC180  }
0xa1: {  	[spmem:s3] =	stream.indirect.scatter.add.f32 [tilespmem:s18], [sflag:$0x3], $0x80, s25, s17, $0xb8;
	[tilespmem:$0x1E800] =	vst v63  }
0xa2: {  	_ =	swait.ge [sflag:s19], $0x3E80  }
0xa3: {  	[sflag:s19] =	ssyncset.done $0x0  }
0xa4: {  	[sflag:s19] =	ssyncadd.s32 $0xFFFFC180  }
0xa5: {  	_ =	swait.ge [sflag:s22], $0x3E80  }
0xa6: {  	[sflag:s22] =	ssyncset.done $0x0  }
0xa7: {  	[sflag:s22] =	ssyncadd.s32 $0xFFFFC180  }
0xa8: {  	[spmem:s3] =	stream.indirect.scatter.add.f32 [tilespmem:s20], [sflag:$0x4], $0x80, s26, s17, $0xb8;
	[tilespmem:$0x1E800] =	vst v63  }
0xa9: {  	_ =	swait.ge [sflag:s23], $0x3E80  }
0xaa: {  	s28 =	sadd.s32 $0x1, s28;
	[sflag:s23] =	ssyncset.done $0x0  }
0xab: {  	p0 =	sne.s32 s28, s13;
	[sflag:s23] =	ssyncadd.s32 $0xFFFFC180  }
.Ltmp2:
0xac: {  	s31 =	sor.u32 $0x1C05, s5;
	[bflag:$0x0] =	sbarrier.arrive $0xFFFF;
	(pc) =	sbr.rel @p0 .LBB2_1-.Ltmp2, $4  }
0xad: {  	[hbm:s12], [sflag:s31] =	dma.local [spmem:s14], $0x2800  }
0xae: {  	_ =	swait.ge [sflag:s15], $0x2800  }
0xaf: {  	[sflag:s15] =	ssyncset.done $0x0  }
0xb0: {  	[sflag:s15] =	ssyncadd.s32 $0xFFFFD800  }
0xb1: {  	_ =	sfence.sel $0x180000  }
0xb2: {  	[bflag:$0x0] =	sbarrier.arrive $0xFFFF  }
0xb3: {  	_ =	strace $0x9000004D  }
0xb4: {  	s0 =	stileid.u32;
	[bflag:$0x2] =	sbarrier.arrive $0xFFFF  }
0xb5: {  	p0 =	sne.s32 s0, $0x0;
	s0 =	rddreg [dreg:$0x3]  }
0xb6: {  	s0 =	sadd.s32 @!p0 $0x100000, s0  }
0xb7: {  	[sflag:s0] =	ssyncadd.tile.s32 @!p0 $0x1;
	_ =	shalt  }
.Lfunc_end2:
_tile_overlayer_lowered:
.L_overlay_start_2:
0xb8: {  	(tag) =	ssettag $0x2  }
0xb9: {  	s0 =	rddreg [dreg:$0x0];
	s2 =	stileid.u32  }
0xba: {  	s1 =	rddreg [dreg:$0x1];
	p0 =	sne.s32 s2, $0x0  }
0xbb: {  	s3 =	rddreg [dreg:$0x2];
	[bflag:$0x3] =	sbarrier.arrive $0xFFFF;
	s2 =	simm.s32 @!p0 $0x1C05  }
0xbc: {  	[timem:s3], [sflag:s2] =	dma.local @!p0 [hbm:s0], s1  }
0xbd: {  	s0 =	simm.s32 @!p0 $0x5  }
0xbe: {  	_ =	swait.ge @!p0 [sflag:s0], s1  }
0xbf: {  	s1 =	ssub.s32 @!p0 $0x0, s1;
	[sflag:s0] =	ssyncset.done @!p0 $0x0  }
0xc0: {  	[sflag:s0] =	ssyncadd.s32 @!p0 s1  }
0xc1: {  	[bflag:$0x3] =	sbarrier.arrive $0xFFFF  }
0xc2: {  	_ =	shalt  }

// kernel: kernel.8.cloned.1.call-start
scs
__scs_entry_jumppad:
0x0: {  	(pc) =	sbr.rel $0x88, $3  }
0x1: {  	(tag) =	ssettag $0x0;
	lr =	simm.s32 $0x1  }
0x2: {  	[smem:$0x3F9B] =	sst lr;
	_ =	strace $0xD0000000  }
0x3: {  	_ = 	snop  }
0x4: {  	_ = 	snop  }
0x5: {  	_ = 	snop  }
0x6: {  	_ = 	snop  }
0x7: {  	_ = 	snop  }
__scs_overlays_trampoline_lowered:
0x8: {  	[smem:$0x3FAA] =	sst s0  }
0x9: {  	[smem:$0x3FAB] =	sst s1  }
0xa: {  	[smem:$0x3FAC] =	sst s2  }
0xb: {  	[smem:$0x3FAD] =	sst s3  }
0xc: {  	[smem:$0x3FAE] =	sst s4  }
0xd: {  	[smem:$0x3FAF] =	sst s5  }
0xe: {  	[smem:$0x3FB0] =	sst s6  }
0xf: {  	[smem:$0x3FB1] =	sst s7  }
0x10: {  	[smem:$0x3FB2] =	sst s8  }
0x11: {  	[smem:$0x3FB3] =	sst s9;
	s0 =	simm.s32 @!p0 $0x0  }
0x12: {  	s1 =	sld [smem:$0x3F99];
	s0 =	simm.s32 @p0 $0x1  }
0x13: {  	[smem:$0x3FB4] =	sst s0;
	s0 =	simm.s32 @!p1 $0x0  }
0x14: {  	s2 =	sld [smem:$0x3F98];
	s0 =	simm.s32 @p1 $0x1  }
0x15: {  	[smem:$0x3FB5] =	sst s0;
	s0 =	simm.s32 @!p2 $0x0  }
0x16: {  	s3 =	sld [smem:$0x3FDB];
	s0 =	simm.s32 @p2 $0x1  }
0x17: {  	s4 =	simm.s32 $0x1BF5;
	[smem:$0x3FB7] =	sst s0  }
0x18: {  	s0 =	sld [smem:$0x3F9A];
	_ =	swait.ge [sflag:s4], $0x0  }
0x19: {  	s7 =	sld [smem:$0x3F9B]  }
0x1a: {  	s8 =	sadd.s32 $0xFFFFE003, lr  }
0x1b: {  	s9 =	sadd.s32 $0xFFFFFEF7, lr;
	s5 =	simm.s32 $0xFFFFFFFF;
	p2 =	slt.u32 s8, $0xFFFFF086  }
0x1c: {  	p1 =	slt.u32 s9, $0xF7A;
	s5 =	simm.s32 @!p2 $0x0  }
0x1d: {  	s5 =	simm.s32 @p1 $0x1;
	p0 =	seq.s32 s7, s2  }
0x1e: {  	s7 =	smul.u32 @!p0 $0xF7A, s2;
	p2 =	seq.s32 @!p0 s5, $0x0  }
0x1f: {  	s9 =	smul.u32 $0xF7A, s1;
	s8 =	simm.s32 @!p0 $0x1BF5;
	p2 =	por !p2, p0  }
0x20: {  	[sflag:s8] =	ssyncset.s32 @!p0 $0xFFFFF086;
	s6 =	sadd.s32 @!p0 s3, s7;
	s7 =	simm.s32 @!p0 $0x108  }
0x21: {  	s3 =	sadd.s32 s3, s9;
	s6 =	sadd.s32 @!p0 $0x88, s6;
	s7 =	simm.s32 @p2 $0x1082  }
0x22: {  	[simem:s7], [sflag:s8] =	dma.local @!p0 [hbm:s6], $0xF7A  }
0x23: {  	s9 =	sor.u32 $0xD0000000, s2;
	s6 =	simm.s32 $0x108;
	_ =	swait.ge @!p0 [sflag:s8], $0x0  }
0x24: {  	s3 =	sadd.s32 $0x88, s3;
	s6 =	simm.s32 @!p1 $0x1082;
	[sflag:s4] =	ssyncset.s32 $0xFFFFF086  }
0x25: {  	[simem:s6], [sflag:s4] =	dma.local [hbm:s3], $0xF7A  }
0x26: {  	[smem:$0x3F9B] =	sst s1;
	(tag) =	ssettag s2;
	_ =	strace s9  }
0x27: {  	s1 =	sld [smem:$0x3FAB]  }
0x28: {  	s2 =	sld [smem:$0x3FAC]  }
0x29: {  	s4 =	sld [smem:$0x3FAE]  }
0x2a: {  	p0 =	seq.s32 s5, $0x0;
	s5 =	sld [smem:$0x3FAF]  }
0x2b: {  	s6 =	sld [smem:$0x3FB0]  }
0x2c: {  	s7 =	sld [smem:$0x3FB1]  }
0x2d: {  	s3 =	simm.s32 $0x108;
	s8 =	sld [smem:$0x3FB2]  }
0x2e: {  	s3 =	simm.s32 @!p0 $0x1082;
	s9 =	sld [smem:$0x3FB3]  }
0x2f: {  	lr =	sadd.s32 s0, s3;
	s0 =	sld [smem:$0x3FAA]  }
0x30: {  	s3 =	sld [smem:$0x3FAD]  }
0x31: {  	[smem:$0x3FB6] =	sst s10  }
0x32: {  	s10 =	sld [smem:$0x3FB4];
	_ =	sdelay $0x3  }
0x33: {  	p0 =	seq.s32 s10, $0x1;
	s10 =	sld [smem:$0x3FB6];
	_ =	sdelay $0x3  }
0x34: {  	[smem:$0x3FB6] =	sst s10  }
0x35: {  	s10 =	sld [smem:$0x3FB5];
	_ =	sdelay $0x3  }
0x36: {  	p1 =	seq.s32 s10, $0x1;
	s10 =	sld [smem:$0x3FB6];
	_ =	sdelay $0x3  }
0x37: {  	[smem:$0x3FB6] =	sst s10  }
0x38: {  	s10 =	sld [smem:$0x3FB7]  }
0x39: {  	_ = 	snop;
	(pc) =	sbr.ind lr, $3  }
0x3a: {  	_ = 	snop  }
0x3b: {  	_ = 	snop  }
0x3c: {  	p2 =	seq.s32 s10, $0x1;
	s10 =	sld [smem:$0x3FB6]  }
0x3d: {  	_ =	shalt  }
0x3e: {  	_ =	shalt  }
0x3f: {  	_ =	shalt  }
0x40: {  	_ =	shalt  }
0x41: {  	_ =	shalt  }
0x42: {  	_ =	shalt  }
0x43: {  	_ =	shalt  }
0x44: {  	_ =	shalt  }
0x45: {  	_ =	shalt  }
0x46: {  	_ =	shalt  }
0x47: {  	_ =	shalt  }
0x48: {  	_ =	shalt  }
0x49: {  	_ =	shalt  }
0x4a: {  	_ =	shalt  }
0x4b: {  	_ =	shalt  }
0x4c: {  	_ =	shalt  }
0x4d: {  	_ =	shalt  }
0x4e: {  	_ =	shalt  }
0x4f: {  	_ =	shalt  }
0x50: {  	_ =	shalt  }
0x51: {  	_ =	shalt  }
0x52: {  	_ =	shalt  }
0x53: {  	_ =	shalt  }
0x54: {  	_ =	shalt  }
0x55: {  	_ =	shalt  }
0x56: {  	_ =	shalt  }
0x57: {  	_ =	shalt  }
0x58: {  	_ =	shalt  }
0x59: {  	_ =	shalt  }
0x5a: {  	_ =	shalt  }
0x5b: {  	_ =	shalt  }
0x5c: {  	_ =	shalt  }
0x5d: {  	_ =	shalt  }
0x5e: {  	_ =	shalt  }
0x5f: {  	_ =	shalt  }
0x60: {  	_ =	shalt  }
0x61: {  	_ =	shalt  }
0x62: {  	_ =	shalt  }
0x63: {  	_ =	shalt  }
0x64: {  	_ =	shalt  }
0x65: {  	_ =	shalt  }
0x66: {  	_ =	shalt  }
0x67: {  	_ =	shalt  }
0x68: {  	_ =	shalt  }
0x69: {  	_ =	shalt  }
0x6a: {  	_ =	shalt  }
0x6b: {  	_ =	shalt  }
0x6c: {  	_ =	shalt  }
0x6d: {  	_ =	shalt  }
0x6e: {  	_ =	shalt  }
0x6f: {  	_ =	shalt  }
0x70: {  	_ =	shalt  }
0x71: {  	_ =	shalt  }
0x72: {  	_ =	shalt  }
0x73: {  	_ =	shalt  }
0x74: {  	_ =	shalt  }
0x75: {  	_ =	shalt  }
0x76: {  	_ =	shalt  }
0x77: {  	_ =	shalt  }
0x78: {  	_ =	shalt  }
0x79: {  	_ =	shalt  }
0x7a: {  	_ =	shalt  }
0x7b: {  	_ =	shalt  }
0x7c: {  	_ =	shalt  }
0x7d: {  	_ =	shalt  }
0x7e: {  	_ =	shalt  }
0x7f: {  	_ =	shalt  }
0x80: {  	_ =	shalt  }
0x81: {  	_ =	shalt  }
0x82: {  	_ =	shalt  }
0x83: {  	_ =	shalt  }
0x84: {  	_ =	shalt  }
0x85: {  	_ =	shalt  }
0x86: {  	_ =	shalt  }
0x87: {  	_ =	shalt  }
.Lfunc_end0:
.L_simem_size_0:
called_computation_lowered:
.L_overlay_start_0:
0x88: {  	s2 =	sld [smem:$0x3FD9]  }
0x89: {  	s3 =	sld [smem:$0x3FFE];
	_ =	sdelay $0x1  }
0x8a: {  	s1 =	srdreg.scid  }
0x8b: {  	s0 =	sand.u32 $0x1, s1  }
0x8c: {  	s17 =	sshll.u32 s0, $0xA;
	s2 =	sadd.s32 s3, s2  }
0x8d: {  	s2 =	sadd.s32 s2, s17  }
0x8e: {  	[smem:$0x3FC2] =	sst s2  }
0x8f: {  	_ = 	snop  }
0x90: {  	s2 =	sld [smem:$0x3FD0];
	(tm) =	ssettm $0x1  }
0x91: {  	s18 =	sld [smem:$0x3FFB];
	_ =	sdelay $0x3  }
0x92: {  	_ =	strace s18  }
0x93: {  	s3 =	sld [smem:$0x3FFC];
	_ =	sdelay $0x3  }
0x94: {  	_ =	strace s3  }
0x95: {  	s3 =	sld [smem:$0x3FFD];
	_ =	sdelay $0x3  }
0x96: {  	_ =	strace s3  }
0x97: {  	_ =	strace $0x8FFFFFFF  }
0x98: {  	s19 =	sld [smem:$0x3FDB];
	_ =	sdelay $0x1  }
0x99: {  	s4 =	simm.s32 $_scs_section_size  }
0x9a: {  	s5 =	simm.s32 $_size__tile_overlayer_lowered;
	s6 =	simm.s32 $_tile_overlayer_lowered  }
0x9b: {  	s22 =	simm.s32 $0x1BFF;
	s21 =	sshll.u32 s6, $0x1;
	s3 =	sadd.s32 s4, s19  }
0x9c: {  	s7 =	simm.s32 $0x0;
	s20 =	sshll.u32 s5, $0x1;
	s5 =	sadd.s32 s21, s3  }
0x9d: {  	[timem:s7], [sflag:s22] =	dma.local [hbm:s5], s20  }
0x9e: {  	_ =	swait.ge [sflag:s22], s20  }
0x9f: {  	s4 =	ssub.s32 $0x0, s20;
	[sflag:s22] =	ssyncset.done $0x0  }
0xa0: {  	[sflag:s22] =	ssyncadd.s32 s4;
	_ =	sdelay $0x1  }
0xa1: {  	s23 =	simm.s32 $0x1B8B  }
0xa2: {  	_ =	swait.ge [sflag:s23], $0x1  }
0xa3: {  	[sflag:s23] =	ssyncset.done $0x0  }
0xa4: {  	s25 =	simm.s32 $0x1B8E;
	s24 =	sld [smem:$0x3FFE];
	[sflag:s23] =	ssyncadd.s32 $0xFFFFFFFF  }
0xa5: {  	s26 =	simm.s32 $execute0_lowered;
	[smem:$0x3FD2] =	sst s25  }
0xa6: {  	s5 =	sshll.u32 s26, $0x1;
	_ =	strace $0x80000046;
	[dreg:$0x1] =	wrdreg $0xFFFFFFFF  }
0xa7: {  	s28 =	simm.s32 $_size_execute0_lowered;
	s3 =	sadd.s32 s3, s5;
	[dreg:$0x0] =	wrdreg $0x0  }
0xa8: {  	s5 =	sshll.u32 s28, $0x1;
	[dreg:$0x2] =	wrdreg s3  }
0xa9: {  	[dreg:$0x3] =	wrdreg s5  }
0xaa: {  	[dreg:$0x4] =	wrdreg $0xC0  }
0xab: {  	_ =	task [dreg:s7], $0x5FFFF  }
0xac: {  	[dreg:$0x1] =	wrdreg $0xFFFFFFFF  }
0xad: {  	[dreg:$0x0] =	wrdreg $0x60  }
0xae: {  	[dreg:$0x2] =	wrdreg s2  }
0xaf: {  	[dreg:$0x3] =	wrdreg s24  }
0xb0: {  	[dreg:$0x4] =	wrdreg $0x40800  }
0xb1: {  	[dreg:$0x5] =	wrdreg $0x9  }
0xb2: {  	_ =	task.clear_ibuf [dreg:s7], $0x6FFFF;
	_ =	strace $0x90000046  }
0xb3: {  	s29 =	simm.s32 $0x9;
	_ =	strace $0x80000048  }
0xb4: {  	_ =	swait.ge [sflag:s29], $0x1  }
0xb5: {  	[sflag:s29] =	ssyncadd.s32 $0xFFFFFFFF  }
0xb6: {  	_ =	strace $0x90000048  }
0xb7: {  	_ =	sfence  }
0xb8: {  	s30 =	sld [smem:$0x0];
	_ =	sdelay $0x2  }
0xb9: {  	s31 =	sshll.u32 s1, $0xD;
	s1 =	sshrl.u32 s1, $0x2  }
0xba: {  	s3 =	sand.u32 $0x4000, s31;
	s1 =	sadd.s32 s1, s30  }
0xbb: {  	s0 =	sor.u32 s3, s0;
	s1 =	sshll.u32 s1, $0x11  }
0xbc: {  	s0 =	sor.u32 s1, s0  }
0xbd: {  	s0 =	sadd.s32 $0x8F2B, s0  }
0xbe: {  	[sflag:s0] =	ssyncadd.remote.s32 $0x1  }
0xbf: {  	_ =	sfence.sel $0xFFFF  }
0xc0: {  	[dreg:$0x0] =	wrdreg $0xFFFFFFFF;
	(pc) =	sbr.abs _section_cstart, $3  }
0xc1: {  	[dreg:$0x1] =	wrdreg $0xFFFFFFFF  }
0xc2: {  	_ =	task.clear_ibuf [dreg:s7], $0x2FFFF;
	_ =	strace $0x9FFFFFFF  }
0xc3: {  	(tm) =	ssettm $0x7FFFFFFF  }
tec
execute0_lowered:
.L_overlay_start_1:
0x0: {  	(tag) =	ssettag $0x1  }
0x1: {  	s4 =	rddreg [dreg:$0x0];
	s1 =	srdreg.scid  }
0x2: {  	s5 =	rddreg [dreg:$0x1];
	s0 =	stileid.u32  }
0x3: {  	s2 =	rddreg [dreg:$0x2];
	s12 =	simm.s32 $0x4000;
	s13 =	simm.s32 $0x1  }
0x4: {  	s14 =	simm.s32 $0x80;
	s15 =	simm.s32 $0x10;
	s16 =	simm.s32 $0x0  }
0x5: {  	s6 =	sand.u32 $0x1, s1;
	s3 =	sshrl.u32 s0, $0x3;
	s9 =	smul.u32 $0x280, s0  }
0x6: {  	s1 =	rddreg [dreg:$0x3];
	s10 =	sshll.u32 s0, $0x7;
	s7 =	smul.u32 $0x2800, s6  }
0x7: {  	s11 =	sshll.u32 s0, $0xB;
	s31 =	sshll.u32 s0, $0x6;
	s8 =	smul.u32 $0x1400, s3  }
0x8: {  	s3 =	simm.s32 $0x0;
	s23 =	sand.u32 $0x380, s10;
	s26 =	ssub.s32 $0x2, s6  }
0x9: {  	s29 =	sshll.u32 s6, $0xF;
	s4 =	sadd.s32 s4, s11;
	s11 =	simm.s32 $0x50  }
0xa: {  	[smem:$0x7FF] =	sst s3;
	s24 =	sshrl.u32 s9, $0x3;
	s28 =	sshrl.u32 s26, $0x1  }
0xb: {  	s4 =	sadd.s32 s29, s4;
	s30 =	sadd.s32 s9, s2;
	s7 =	sadd.s32 s7, s8  }
0xc: {  	s9 =	sor.u32 $0x1C02, s31;
	_ =	strace $0x80000047;
	s7 =	sor.u32 s23, s7  }
0xd: {  	s25 =	sadd.s32 s24, s5;
	s10 =	ssub.s32 s26, s28;
	s7 =	sshrl.u32 s7, $0x3  }
0xe: {  	s8 =	simm.s32 $0x2;
	s7 =	sadd.s32 s7, s5;
	s5 =	sadd.s32 $0x2200, s25  }
0xf: {  	v0 =	vimm.f32 $1.000000000e+00;
	s6 =	sadd.s32 $0x2800, s7;
	s7 =	smax.u32 s10, $0x1;
	s10 =	sshrl.u32 s30, $0x3  }
.LBB2_1:
0x10: {  	[tilespmem:s3], [sflag:$0x2] =	stream.linear.gather [hbm4b:s4+s3], $0x3E80, $0x38;
	[tilespmem:$0x4300] =	vst v63  }
0x11: {  	_ =	swait.ge [sflag:s8], $0x3E80  }
0x12: {  	[sflag:s8] =	ssyncset.done $0x0  }
0x13: {  	[sflag:s8] =	ssyncadd.s32 $0xFFFFC180  }
0x14: {  	[tilespmem:$0x4000] =	vst v0  }
0x15: {  	[tilespmem:$0x4010] =	vst v0  }
0x16: {  	[tilespmem:$0x4020] =	vst v0  }
0x17: {  	[tilespmem:$0x4030] =	vst v0  }
0x18: {  	[tilespmem:$0x4040] =	vst v0  }
0x19: {  	[spmem:s10], [sflag:s9] =	dma.local [hbm:s5], $0x50  }
0x1a: {  	_ =	swait.ge [sflag:s8], $0x50  }
0x1b: {  	[sflag:s8] =	ssyncset.done $0x0  }
0x1c: {  	[sflag:s8] =	ssyncadd.s32 $0xFFFFFFB0  }
0x1d: {  	s17 =	simm.s32 $0x0;
	[bflag:$0x0] =	sbarrier.arrive $0xFFFF  }
.LBB2_2:
0x1e: {  	p0 =	sne.s32 s17, $0xF800  }
.Ltmp0:
0x1f: {  	_ = 	snop;
	(pc) =	sbr.rel @p0 .LBB2_2-.Ltmp0, $3  }
0x20: {  	_ =	sdelay $0x1  }
0x21: {  	s18 =	sshra.s32 s17, $0x2;
	s17 =	sadd.s32 $0x200, s17  }
0x22: {  	[spmem:s2] =	stream.indirect.scatter.add.f32 [tilespmem:s12], [sflag:$0x1], $0x1, s18, s11, $0xb8;
	[tilespmem:$0x4300] =	vst v63  }
0x23: {  	_ =	swait.ge [sflag:s13], $0x50  }
0x24: {  	s17 =	simm.s32 $0x7C;
	[sflag:s13] =	ssyncset.done $0x0  }
.LBB2_4:
0x25: {  	p0 =	sne.s32 s17, $0x1;
	s17 =	sadd.s32 $0xFFFFFFFF, s17;
	[sflag:s13] =	ssyncadd.s32 $0xFFFFFFB0  }
.Ltmp1:
0x26: {  	(pc) =	sbr.rel @p0 .LBB2_4-.Ltmp1, $3  }
0x27: {  	_ =	sdelay $0x1  }
0x28: {  	_ =	swait.ge [sflag:s13], $0x50  }
0x29: {  	[sflag:s13] =	ssyncset.done $0x0  }
0x2a: {  	s16 =	sadd.s32 $0x1, s16  }
0x2b: {  	[sflag:s13] =	ssyncadd.s32 $0xFFFFFFB0;
	p0 =	sne.s32 s16, s7  }
.Ltmp2:
0x2c: {  	[bflag:$0x0] =	sbarrier.arrive $0xFFFF;
	(pc) =	sbr.rel @p0 .LBB2_1-.Ltmp2, $4  }
0x2d: {  	[hbm:s6@s14], [sflag:s9] =	dma.strided [spmem:s10@s15], $0x50, s13, $0x10   }
0x2e: {  	_ =	swait.ge [sflag:s8], $0x50  }
0x2f: {  	[sflag:s8] =	ssyncset.done $0x0  }
0x30: {  	[sflag:s8] =	ssyncadd.s32 $0xFFFFFFB0  }
0x31: {  	_ =	sfence.sel $0x180000  }
0x32: {  	[bflag:$0x0] =	sbarrier.arrive $0xFFFF  }
0x33: {  	p0 =	sne.s32 s0, $0x0;
	_ =	strace $0x90000047  }
0x34: {  	s0 =	sadd.s32 @!p0 $0x100000, s1;
	[bflag:$0x2] =	sbarrier.arrive $0xFFFF  }
0x35: {  	[sflag:s0] =	ssyncadd.tile.s32 @!p0 $0x1;
	_ =	shalt  }
.Lfunc_end2:
_tile_overlayer_lowered:
.L_overlay_start_2:
0x36: {  	(tag) =	ssettag $0x2  }
0x37: {  	s0 =	rddreg [dreg:$0x0];
	s2 =	stileid.u32  }
0x38: {  	s1 =	rddreg [dreg:$0x1];
	p0 =	sne.s32 s2, $0x0  }
0x39: {  	s3 =	rddreg [dreg:$0x2];
	[bflag:$0x3] =	sbarrier.arrive $0xFFFF;
	s2 =	simm.s32 @!p0 $0x1C02  }
0x3a: {  	[timem:s3], [sflag:s2] =	dma.local @!p0 [hbm:s0], s1  }
0x3b: {  	s0 =	simm.s32 @!p0 $0x2  }
0x3c: {  	_ =	swait.ge @!p0 [sflag:s0], s1  }
0x3d: {  	s1 =	ssub.s32 @!p0 $0x0, s1;
	[sflag:s0] =	ssyncset.done @!p0 $0x0  }
0x3e: {  	[sflag:s0] =	ssyncadd.s32 @!p0 s1  }
0x3f: {  	[bflag:$0x3] =	sbarrier.arrive $0xFFFF  }
0x40: {  	_ =	shalt  }

</sc_bundles>
